<compile_context>
chip_gen: v7x
topology: tpu7x:2x2x1
jax: 0.10.2.dev20260603
libtpu: 0.0.44.dev20260713+nightly
codegen_flags: <defaults>
</compile_context>

<pallas_src>
import functools

import jax
import jax.numpy as jnp
from jax import lax
from jax.experimental import pallas as pl
from jax.experimental.pallas import tpu as pltpu
from jax.experimental.pallas import tpu_sc as plsc

MAX_AGE = 100.0
BIN_SIZE = 5.0
D = 128
L = 16
NC = 2
NS = 16
NW = NC * NS
GS = 128
GT = 0
CHT = GS + GT
NA = 4
NR = 6
NROWS = 22


def kernel(ages, table):
    B, S = ages.shape
    N = B * S
    n_per_w = N // NW
    n_chunks = n_per_w // CHT

    mesh = plsc.VectorSubcoreMesh(core_axis_name="c", subcore_axis_name="s")

    @functools.partial(
        pl.kernel,
        mesh=mesh,
        out_type=jax.ShapeDtypeStruct((N, D), jnp.float32),
        scratch_types=[
            pltpu.VMEM((NA, CHT), jnp.float32),
            pltpu.VMEM((NA, GS), jnp.int32),
            pltpu.VMEM((NR, CHT, D), jnp.float32),
            pltpu.VMEM_SHARED((NROWS, D), jnp.float32),
            pltpu.SemaphoreType.DMA,
            pltpu.SemaphoreType.DMA,
            pltpu.SemaphoreType.DMA,
        ],
    )
    def sc_embed(ages_hbm, table_hbm, out_hbm, ages_v, bins_s,
                 rows_v, table_sh, sem_a, sem_g, sem_w):
        wid = lax.axis_index("s") * NC + lax.axis_index("c")
        w_base = wid * n_per_w

        def ages_copy(c):
            return pltpu.make_async_copy(
                ages_hbm.at[pl.ds(w_base + c * CHT, CHT)],
                ages_v.at[lax.rem(c, NA)], sem_a)

        def write_copy(c):
            return pltpu.make_async_copy(
                rows_v.at[lax.rem(c, NR)],
                out_hbm.at[pl.ds(w_base + c * CHT, CHT)], sem_w)

        def compute_bins(c):
            ba = lax.rem(c, NA)
            for k in range(CHT // L):
                a = ages_v[ba, pl.ds(k * L, L)]
                a = jnp.minimum(jnp.maximum(a, 0.0), MAX_AGE)
                bins_s[ba, pl.ds(k * L, L)] = (a / BIN_SIZE).astype(jnp.int32)

        def gather_copies(c):
            ba, br = lax.rem(c, NA), lax.rem(c, NR)
            return [
                pltpu.make_async_copy(
                    table_sh.at[bins_s.at[ba]],
                    rows_v.at[br, pl.ds(0, GS)], sem_g)
            ]

        @pl.when(lax.axis_index("s") == 0)
        def _():
            pltpu.sync_copy(table_hbm, table_sh)

        plsc.subcore_barrier()

        for c in range(NA):
            ages_copy(c).start()

        def body(c, carry):
            @pl.when(c >= NR)
            def _():
                write_copy(c - NR).wait()

            ages_copy(c).wait()
            compute_bins(c)

            @pl.when(c + NA < n_chunks)
            def _():
                ages_copy(c + NA).start()

            for cp in gather_copies(c):
                cp.start()

            @pl.when(c >= 3)
            def _():
                for cp in gather_copies(c - 3):
                    cp.wait()
                write_copy(c - 3).start()

            return carry

        lax.fori_loop(0, n_chunks, body, 0)

        for c in range(max(n_chunks - 3, 0), n_chunks):
            for cp in gather_copies(c):
                cp.wait()
            write_copy(c).start()
        for c in range(n_chunks - min(NR, n_chunks), n_chunks):
            write_copy(c).wait()

    out = sc_embed(ages.reshape(N), table)
    return out.reshape(B, S, D)

# --- scband reference (transcript-rebuilt; emitter-appended) ---
"""Pipeline reference for scband-age-embedding-67087389163759 (READ-ONLY COPY).

The authoritative reference and input builder live on the scoring server;
editing this copy changes nothing except your own understanding.
"""

import jax, jax.numpy as jnp
import numpy as np

MAX_AGE = 100
AGE_BIN_SIZE = 5
NUM_BINS = MAX_AGE // AGE_BIN_SIZE + 2  # 22
EMBED_DIM = 128
BATCH = 16384
SEQ = 200


def setup_inputs(seed: int = 0) -> dict:
    key = jax.random.key(seed)
    k_ages, k_table = jax.random.split(key)
    ages = jax.random.randint(k_ages, (BATCH, SEQ), 0, 100).astype(jnp.float32)
    table = jax.random.normal(k_table, (NUM_BINS, EMBED_DIM), dtype=jnp.float32)
    return {"ages": ages, "table": table}


def reference(ages, table):
    # clamp ages into [0, MAX_AGE]
    ages_c = jnp.clip(ages, 0.0, float(MAX_AGE))
    # bin: floor division by bin size, cast to int (torch .long() truncates toward zero;
    # ages are non-negative after clamp so floor == trunc)
    age_bins = (ages_c / float(AGE_BIN_SIZE)).astype(jnp.int32)
    # embedding lookup -> gather rows
    return jnp.take(table, age_bins, axis=0)

if __name__ == "__main__":
    import jax
    _d = setup_inputs()
    print(jax.jit(kernel)(*tuple(_d.values())))

</pallas_src>

<mosaic_0001>
#map = affine_map<(d0, d1) -> (0)>
#map1 = affine_map<(d0, d1) -> (0, 0)>
module attributes {stable_mosaic.version = 14 : i64} {
  func.func @sc_embed(%arg0: i32, %arg1: i32, %arg2: memref<3276800xf32, #tpu.memory_space<hbm>>, %arg3: memref<22x128xf32, #tpu.memory_space<hbm>>, %arg4: memref<3276800x128xf32, #tpu.memory_space<hbm>>, %arg5: memref<4x128xf32, #tpu.memory_space<vmem>>, %arg6: memref<4x128xi32, #tpu.memory_space<vmem>>, %arg7: memref<6x128x128xf32, #tpu.memory_space<vmem>>, %arg8: memref<22x128xf32, #tpu.memory_space<vmem_shared>>, %arg9: memref<!tpu.dma_semaphore, #tpu.memory_space<semaphore_mem>>, %arg10: memref<!tpu.dma_semaphore, #tpu.memory_space<semaphore_mem>>, %arg11: memref<!tpu.dma_semaphore, #tpu.memory_space<semaphore_mem>>) attributes {dimension_semantics = [#tpu.dimension_semantics<core_parallel>, #tpu.dimension_semantics<subcore_parallel>], iteration_bounds = array<i64: 2, 16>, scalar_prefetch = 0 : i64, scratch_operands = 7 : i64, tpu.core_type = #tpu.core_type<sc_vector_subcore>, window_params = [{transform_indices = #map}, {transform_indices = #map1}, {transform_indices = #map1}]} {
    %mul3A = arith.constant 2 : i32
    %mul3A_0 = arith.muli %arg1, %mul3A : i32
    %add3A = arith.addi %mul3A_0, %arg0 : i32
    %mul3A_1 = arith.constant 102400 : i32
    %mul3A_2 = arith.muli %add3A, %mul3A_1 : i32
    %eq3A = arith.constant 0 : i32
    %eq3A_3 = arith.cmpi eq, %arg1, %eq3A : i32
    %convert_element_type3A = arith.extui %eq3A_3 : i1 to i32
    %cond3A = arith.constant 0 : i32
    %cond3A_4 = arith.cmpi ne, %convert_element_type3A, %cond3A : i32
    scf.if %cond3A_4 {
      "tpu.region"() ({
        %run_scoped3A = tpu.sem_alloc : memref<!tpu.dma_semaphore, #tpu.memory_space<semaphore_mem>>
        tpu.enqueue_dma source(%arg3 : memref<22x128xf32, #tpu.memory_space<hbm>>) target(%arg8 : memref<22x128xf32, #tpu.memory_space<vmem_shared>>) target_semaphore(%run_scoped3A : memref<!tpu.dma_semaphore, #tpu.memory_space<semaphore_mem>>)
        tpu.wait_dma2 semaphore(%run_scoped3A : memref<!tpu.dma_semaphore, #tpu.memory_space<semaphore_mem>>) src(%arg3 : memref<22x128xf32, #tpu.memory_space<hbm>>) dst(%arg8 : memref<22x128xf32, #tpu.memory_space<vmem_shared>>)
        tpu.yield
      }) : () -> ()
    } else {
    }
    %barrier3A = arith.constant 0 : index
    tpu.barrier barrier_id(%barrier3A)
    %add3A_5 = arith.constant 0 : i32
    %add3A_6 = arith.addi %mul3A_2, %add3A_5 : i32
    %rem3A = arith.constant 0 : i32
    %rem3A_7 = arith.constant 4 : i32
    %rem3A_8 = arith.remsi %rem3A, %rem3A_7 : i32
    %dma_start3A = arith.constant 0 : i32
    %dma_start3A_9 = tpu.memref_slice %arg5[%rem3A_8, %dma_start3A] : memref<4x128xf32, #tpu.memory_space<vmem>> -> memref<1x128xf32, #tpu.memory_space<vmem>>
    %dma_start3A_10 = tpu.memref_squeeze %dma_start3A_9 : memref<1x128xf32, #tpu.memory_space<vmem>> -> memref<128xf32, #tpu.memory_space<vmem>>
    %dma_start3A_11 = tpu.memref_slice %arg2[%add3A_6] : memref<3276800xf32, #tpu.memory_space<hbm>> -> memref<128xf32, #tpu.memory_space<hbm>>
    %dma_start3A_12 = arith.constant 0 : i32
    %dma_start3A_13 = tpu.memref_slice %arg5[%rem3A_8, %dma_start3A_12] : memref<4x128xf32, #tpu.memory_space<vmem>> -> memref<1x128xf32, #tpu.memory_space<vmem>>
    %dma_start3A_14 = tpu.memref_squeeze %dma_start3A_13 : memref<1x128xf32, #tpu.memory_space<vmem>> -> memref<128xf32, #tpu.memory_space<vmem>>
    %dma_start3A_15 = tpu.memref_slice %arg2[%add3A_6] : memref<3276800xf32, #tpu.memory_space<hbm>> -> memref<128xf32, #tpu.memory_space<hbm>>
    tpu.enqueue_dma source(%dma_start3A_15 : memref<128xf32, #tpu.memory_space<hbm>>) target(%dma_start3A_14 : memref<128xf32, #tpu.memory_space<vmem>>) target_semaphore(%arg9 : memref<!tpu.dma_semaphore, #tpu.memory_space<semaphore_mem>>)
    %add3A_16 = arith.constant 128 : i32
    %add3A_17 = arith.addi %mul3A_2, %add3A_16 : i32
    %rem3A_18 = arith.constant 1 : i32
    %rem3A_19 = arith.constant 4 : i32
    %rem3A_20 = arith.remsi %rem3A_18, %rem3A_19 : i32
    %dma_start3A_21 = arith.constant 0 : i32
    %dma_start3A_22 = tpu.memref_slice %arg5[%rem3A_20, %dma_start3A_21] : memref<4x128xf32, #tpu.memory_space<vmem>> -> memref<1x128xf32, #tpu.memory_space<vmem>>
    %dma_start3A_23 = tpu.memref_squeeze %dma_start3A_22 : memref<1x128xf32, #tpu.memory_space<vmem>> -> memref<128xf32, #tpu.memory_space<vmem>>
    %dma_start3A_24 = tpu.memref_slice %arg2[%add3A_17] : memref<3276800xf32, #tpu.memory_space<hbm>> -> memref<128xf32, #tpu.memory_space<hbm>>
    %dma_start3A_25 = arith.constant 0 : i32
    %dma_start3A_26 = tpu.memref_slice %arg5[%rem3A_20, %dma_start3A_25] : memref<4x128xf32, #tpu.memory_space<vmem>> -> memref<1x128xf32, #tpu.memory_space<vmem>>
    %dma_start3A_27 = tpu.memref_squeeze %dma_start3A_26 : memref<1x128xf32, #tpu.memory_space<vmem>> -> memref<128xf32, #tpu.memory_space<vmem>>
    %dma_start3A_28 = tpu.memref_slice %arg2[%add3A_17] : memref<3276800xf32, #tpu.memory_space<hbm>> -> memref<128xf32, #tpu.memory_space<hbm>>
    tpu.enqueue_dma source(%dma_start3A_28 : memref<128xf32, #tpu.memory_space<hbm>>) target(%dma_start3A_27 : memref<128xf32, #tpu.memory_space<vmem>>) target_semaphore(%arg9 : memref<!tpu.dma_semaphore, #tpu.memory_space<semaphore_mem>>)
    %add3A_29 = arith.constant 256 : i32
    %add3A_30 = arith.addi %mul3A_2, %add3A_29 : i32
    %rem3A_31 = arith.constant 2 : i32
    %rem3A_32 = arith.constant 4 : i32
    %rem3A_33 = arith.remsi %rem3A_31, %rem3A_32 : i32
    %dma_start3A_34 = arith.constant 0 : i32
    %dma_start3A_35 = tpu.memref_slice %arg5[%rem3A_33, %dma_start3A_34] : memref<4x128xf32, #tpu.memory_space<vmem>> -> memref<1x128xf32, #tpu.memory_space<vmem>>
    %dma_start3A_36 = tpu.memref_squeeze %dma_start3A_35 : memref<1x128xf32, #tpu.memory_space<vmem>> -> memref<128xf32, #tpu.memory_space<vmem>>
    %dma_start3A_37 = tpu.memref_slice %arg2[%add3A_30] : memref<3276800xf32, #tpu.memory_space<hbm>> -> memref<128xf32, #tpu.memory_space<hbm>>
    %dma_start3A_38 = arith.constant 0 : i32
    %dma_start3A_39 = tpu.memref_slice %arg5[%rem3A_33, %dma_start3A_38] : memref<4x128xf32, #tpu.memory_space<vmem>> -> memref<1x128xf32, #tpu.memory_space<vmem>>
    %dma_start3A_40 = tpu.memref_squeeze %dma_start3A_39 : memref<1x128xf32, #tpu.memory_space<vmem>> -> memref<128xf32, #tpu.memory_space<vmem>>
    %dma_start3A_41 = tpu.memref_slice %arg2[%add3A_30] : memref<3276800xf32, #tpu.memory_space<hbm>> -> memref<128xf32, #tpu.memory_space<hbm>>
    tpu.enqueue_dma source(%dma_start3A_41 : memref<128xf32, #tpu.memory_space<hbm>>) target(%dma_start3A_40 : memref<128xf32, #tpu.memory_space<vmem>>) target_semaphore(%arg9 : memref<!tpu.dma_semaphore, #tpu.memory_space<semaphore_mem>>)
    %add3A_42 = arith.constant 384 : i32
    %add3A_43 = arith.addi %mul3A_2, %add3A_42 : i32
    %rem3A_44 = arith.constant 3 : i32
    %rem3A_45 = arith.constant 4 : i32
    %rem3A_46 = arith.remsi %rem3A_44, %rem3A_45 : i32
    %dma_start3A_47 = arith.constant 0 : i32
    %dma_start3A_48 = tpu.memref_slice %arg5[%rem3A_46, %dma_start3A_47] : memref<4x128xf32, #tpu.memory_space<vmem>> -> memref<1x128xf32, #tpu.memory_space<vmem>>
    %dma_start3A_49 = tpu.memref_squeeze %dma_start3A_48 : memref<1x128xf32, #tpu.memory_space<vmem>> -> memref<128xf32, #tpu.memory_space<vmem>>
    %dma_start3A_50 = tpu.memref_slice %arg2[%add3A_43] : memref<3276800xf32, #tpu.memory_space<hbm>> -> memref<128xf32, #tpu.memory_space<hbm>>
    %dma_start3A_51 = arith.constant 0 : i32
    %dma_start3A_52 = tpu.memref_slice %arg5[%rem3A_46, %dma_start3A_51] : memref<4x128xf32, #tpu.memory_space<vmem>> -> memref<1x128xf32, #tpu.memory_space<vmem>>
    %dma_start3A_53 = tpu.memref_squeeze %dma_start3A_52 : memref<1x128xf32, #tpu.memory_space<vmem>> -> memref<128xf32, #tpu.memory_space<vmem>>
    %dma_start3A_54 = tpu.memref_slice %arg2[%add3A_43] : memref<3276800xf32, #tpu.memory_space<hbm>> -> memref<128xf32, #tpu.memory_space<hbm>>
    tpu.enqueue_dma source(%dma_start3A_54 : memref<128xf32, #tpu.memory_space<hbm>>) target(%dma_start3A_53 : memref<128xf32, #tpu.memory_space<vmem>>) target_semaphore(%arg9 : memref<!tpu.dma_semaphore, #tpu.memory_space<semaphore_mem>>)
    %scan3A = arith.constant 0 : i32
    %scan3A_55 = arith.constant 0 : i32
    %scan3A_56 = arith.constant 800 : i32
    %scan3A_57 = arith.addi %scan3A_55, %scan3A_56 : i32
    %scan3A_58 = arith.constant 1 : i32
    scf.for %scan3A_260 = %scan3A_55 to %scan3A_57 step %scan3A_58  : i32 {
      %ge3A = arith.constant 6 : i32
      %ge3A_261 = arith.cmpi sge, %scan3A_260, %ge3A : i32
      %convert_element_type3A_262 = arith.extui %ge3A_261 : i1 to i32
      %cond3A_263 = arith.constant 0 : i32
      %cond3A_264 = arith.cmpi ne, %convert_element_type3A_262, %cond3A_263 : i32
      scf.if %cond3A_264 {
        %sub3A = arith.constant 6 : i32
        %sub3A_452 = arith.subi %scan3A_260, %sub3A : i32
        %rem3A_453 = arith.constant 6 : i32
        %rem3A_454 = arith.remsi %sub3A_452, %rem3A_453 : i32
        %mul3A_455 = arith.constant 128 : i32
        %mul3A_456 = arith.muli %sub3A_452, %mul3A_455 : i32
        %add3A_457 = arith.addi %mul3A_2, %mul3A_456 : i32
        %dma_wait3A_458 = arith.constant 0 : i32
        %dma_wait3A_459 = arith.constant 0 : i32
        %dma_wait3A_460 = tpu.memref_slice %arg7[%rem3A_454, %dma_wait3A_458, %dma_wait3A_459] : memref<6x128x128xf32, #tpu.memory_space<vmem>> -> memref<1x128x128xf32, #tpu.memory_space<vmem>>
        %dma_wait3A_461 = tpu.memref_squeeze %dma_wait3A_460 : memref<1x128x128xf32, #tpu.memory_space<vmem>> -> memref<128x128xf32, #tpu.memory_space<vmem>>
        %dma_wait3A_462 = arith.constant 0 : i32
        %dma_wait3A_463 = tpu.memref_slice %arg4[%add3A_457, %dma_wait3A_462] : memref<3276800x128xf32, #tpu.memory_space<hbm>> -> memref<128x128xf32, #tpu.memory_space<hbm>>
        %dma_wait3A_464 = arith.constant 0 : i32
        %dma_wait3A_465 = tpu.memref_slice %arg4[%add3A_457, %dma_wait3A_464] : memref<3276800x128xf32, #tpu.memory_space<hbm>> -> memref<128x128xf32, #tpu.memory_space<hbm>>
        %dma_wait3A_466 = arith.constant 0 : i32
        %dma_wait3A_467 = arith.constant 0 : i32
        %dma_wait3A_468 = tpu.memref_slice %arg7[%rem3A_454, %dma_wait3A_466, %dma_wait3A_467] : memref<6x128x128xf32, #tpu.memory_space<vmem>> -> memref<1x128x128xf32, #tpu.memory_space<vmem>>
        %dma_wait3A_469 = tpu.memref_squeeze %dma_wait3A_468 : memref<1x128x128xf32, #tpu.memory_space<vmem>> -> memref<128x128xf32, #tpu.memory_space<vmem>>
        tpu.wait_dma2 semaphore(%arg11 : memref<!tpu.dma_semaphore, #tpu.memory_space<semaphore_mem>>) src(%dma_wait3A_469 : memref<128x128xf32, #tpu.memory_space<vmem>>) dst(%dma_wait3A_465 : memref<128x128xf32, #tpu.memory_space<hbm>>)
      } else {
      }
      %mul3A_265 = arith.constant 128 : i32
      %mul3A_266 = arith.muli %scan3A_260, %mul3A_265 : i32
      %add3A_267 = arith.addi %mul3A_2, %mul3A_266 : i32
      %rem3A_268 = arith.constant 4 : i32
      %rem3A_269 = arith.remsi %scan3A_260, %rem3A_268 : i32
      %dma_wait3A_270 = arith.constant 0 : i32
      %dma_wait3A_271 = tpu.memref_slice %arg5[%rem3A_269, %dma_wait3A_270] : memref<4x128xf32, #tpu.memory_space<vmem>> -> memref<1x128xf32, #tpu.memory_space<vmem>>
      %dma_wait3A_272 = tpu.memref_squeeze %dma_wait3A_271 : memref<1x128xf32, #tpu.memory_space<vmem>> -> memref<128xf32, #tpu.memory_space<vmem>>
      %dma_wait3A_273 = tpu.memref_slice %arg2[%add3A_267] : memref<3276800xf32, #tpu.memory_space<hbm>> -> memref<128xf32, #tpu.memory_space<hbm>>
      %dma_wait3A_274 = arith.constant 0 : i32
      %dma_wait3A_275 = tpu.memref_slice %arg5[%rem3A_269, %dma_wait3A_274] : memref<4x128xf32, #tpu.memory_space<vmem>> -> memref<1x128xf32, #tpu.memory_space<vmem>>
      %dma_wait3A_276 = tpu.memref_squeeze %dma_wait3A_275 : memref<1x128xf32, #tpu.memory_space<vmem>> -> memref<128xf32, #tpu.memory_space<vmem>>
      %dma_wait3A_277 = tpu.memref_slice %arg2[%add3A_267] : memref<3276800xf32, #tpu.memory_space<hbm>> -> memref<128xf32, #tpu.memory_space<hbm>>
      tpu.wait_dma2 semaphore(%arg9 : memref<!tpu.dma_semaphore, #tpu.memory_space<semaphore_mem>>) src(%dma_wait3A_277 : memref<128xf32, #tpu.memory_space<hbm>>) dst(%dma_wait3A_276 : memref<128xf32, #tpu.memory_space<vmem>>)
      %rem3A_278 = arith.constant 4 : i32
      %rem3A_279 = arith.remsi %scan3A_260, %rem3A_278 : i32
      %get3A = arith.index_cast %rem3A_279 : i32 to index
      %get3A_280 = arith.constant 0 : index
      %get3A_281 = tpu.vector_load %arg5[%get3A, %get3A_280] {strides = array<i32>} : memref<4x128xf32, #tpu.memory_space<vmem>>, vector<1x16xf32>,
      %get3A_282 = vector.shape_cast %get3A_281 : vector<1x16xf32> to vector<16xf32>
      %max3A = arith.constant 0.000000e+00 : f32
      %max3A_283 = vector.broadcast %max3A : f32 to vector<16xf32>
      %max3A_284 = arith.maximumf %get3A_282, %max3A_283 : vector<16xf32>
      %min3A = arith.constant 1.000000e+02 : f32
      %min3A_285 = vector.broadcast %min3A : f32 to vector<16xf32>
      %min3A_286 = arith.minimumf %max3A_284, %min3A_285 : vector<16xf32>
      %div3A = arith.constant 5.000000e+00 : f32
      %div3A_287 = vector.broadcast %div3A : f32 to vector<16xf32>
      %div3A_288 = arith.divf %min3A_286, %div3A_287 : vector<16xf32>
      %convert_element_type3A_289 = arith.fptosi %div3A_288 : vector<16xf32> to vector<16xi32>
      %swap3A = arith.index_cast %rem3A_279 : i32 to index
      %swap3A_290 = arith.constant 0 : index
      %swap3A_291 = tpu.vector_load %arg6[%swap3A, %swap3A_290] {strides = array<i32>} : memref<4x128xi32, #tpu.memory_space<vmem>>, vector<1x16xi32>,
      %swap3A_292 = vector.shape_cast %swap3A_291 : vector<1x16xi32> to vector<16xi32>
      %swap3A_293 = vector.shape_cast %convert_element_type3A_289 : vector<16xi32> to vector<1x16xi32>
      tpu.vector_store %arg6[%swap3A, %swap3A_290], %swap3A_293 {strides = array<i32>} : memref<4x128xi32, #tpu.memory_space<vmem>>, vector<1x16xi32>,
      %get3A_294 = arith.index_cast %rem3A_279 : i32 to index
      %get3A_295 = arith.constant 16 : index
      %get3A_296 = tpu.vector_load %arg5[%get3A_294, %get3A_295] {strides = array<i32>} : memref<4x128xf32, #tpu.memory_space<vmem>>, vector<1x16xf32>,
      %get3A_297 = vector.shape_cast %get3A_296 : vector<1x16xf32> to vector<16xf32>
      %max3A_298 = arith.constant 0.000000e+00 : f32
      %max3A_299 = vector.broadcast %max3A_298 : f32 to vector<16xf32>
      %max3A_300 = arith.maximumf %get3A_297, %max3A_299 : vector<16xf32>
      %min3A_301 = arith.constant 1.000000e+02 : f32
      %min3A_302 = vector.broadcast %min3A_301 : f32 to vector<16xf32>
      %min3A_303 = arith.minimumf %max3A_300, %min3A_302 : vector<16xf32>
      %div3A_304 = arith.constant 5.000000e+00 : f32
      %div3A_305 = vector.broadcast %div3A_304 : f32 to vector<16xf32>
      %div3A_306 = arith.divf %min3A_303, %div3A_305 : vector<16xf32>
      %convert_element_type3A_307 = arith.fptosi %div3A_306 : vector<16xf32> to vector<16xi32>
      %swap3A_308 = arith.index_cast %rem3A_279 : i32 to index
      %swap3A_309 = arith.constant 16 : index
      %swap3A_310 = tpu.vector_load %arg6[%swap3A_308, %swap3A_309] {strides = array<i32>} : memref<4x128xi32, #tpu.memory_space<vmem>>, vector<1x16xi32>,
      %swap3A_311 = vector.shape_cast %swap3A_310 : vector<1x16xi32> to vector<16xi32>
      %swap3A_312 = vector.shape_cast %convert_element_type3A_307 : vector<16xi32> to vector<1x16xi32>
      tpu.vector_store %arg6[%swap3A_308, %swap3A_309], %swap3A_312 {strides = array<i32>} : memref<4x128xi32, #tpu.memory_space<vmem>>, vector<1x16xi32>,
      %get3A_313 = arith.index_cast %rem3A_279 : i32 to index
      %get3A_314 = arith.constant 32 : index
      %get3A_315 = tpu.vector_load %arg5[%get3A_313, %get3A_314] {strides = array<i32>} : memref<4x128xf32, #tpu.memory_space<vmem>>, vector<1x16xf32>,
      %get3A_316 = vector.shape_cast %get3A_315 : vector<1x16xf32> to vector<16xf32>
      %max3A_317 = arith.constant 0.000000e+00 : f32
      %max3A_318 = vector.broadcast %max3A_317 : f32 to vector<16xf32>
      %max3A_319 = arith.maximumf %get3A_316, %max3A_318 : vector<16xf32>
      %min3A_320 = arith.constant 1.000000e+02 : f32
      %min3A_321 = vector.broadcast %min3A_320 : f32 to vector<16xf32>
      %min3A_322 = arith.minimumf %max3A_319, %min3A_321 : vector<16xf32>
      %div3A_323 = arith.constant 5.000000e+00 : f32
      %div3A_324 = vector.broadcast %div3A_323 : f32 to vector<16xf32>
      %div3A_325 = arith.divf %min3A_322, %div3A_324 : vector<16xf32>
      %convert_element_type3A_326 = arith.fptosi %div3A_325 : vector<16xf32> to vector<16xi32>
      %swap3A_327 = arith.index_cast %rem3A_279 : i32 to index
      %swap3A_328 = arith.constant 32 : index
      %swap3A_329 = tpu.vector_load %arg6[%swap3A_327, %swap3A_328] {strides = array<i32>} : memref<4x128xi32, #tpu.memory_space<vmem>>, vector<1x16xi32>,
      %swap3A_330 = vector.shape_cast %swap3A_329 : vector<1x16xi32> to vector<16xi32>
      %swap3A_331 = vector.shape_cast %convert_element_type3A_326 : vector<16xi32> to vector<1x16xi32>
      tpu.vector_store %arg6[%swap3A_327, %swap3A_328], %swap3A_331 {strides = array<i32>} : memref<4x128xi32, #tpu.memory_space<vmem>>, vector<1x16xi32>,
      %get3A_332 = arith.index_cast %rem3A_279 : i32 to index
      %get3A_333 = arith.constant 48 : index
      %get3A_334 = tpu.vector_load %arg5[%get3A_332, %get3A_333] {strides = array<i32>} : memref<4x128xf32, #tpu.memory_space<vmem>>, vector<1x16xf32>,
      %get3A_335 = vector.shape_cast %get3A_334 : vector<1x16xf32> to vector<16xf32>
      %max3A_336 = arith.constant 0.000000e+00 : f32
      %max3A_337 = vector.broadcast %max3A_336 : f32 to vector<16xf32>
      %max3A_338 = arith.maximumf %get3A_335, %max3A_337 : vector<16xf32>
      %min3A_339 = arith.constant 1.000000e+02 : f32
      %min3A_340 = vector.broadcast %min3A_339 : f32 to vector<16xf32>
      %min3A_341 = arith.minimumf %max3A_338, %min3A_340 : vector<16xf32>
      %div3A_342 = arith.constant 5.000000e+00 : f32
      %div3A_343 = vector.broadcast %div3A_342 : f32 to vector<16xf32>
      %div3A_344 = arith.divf %min3A_341, %div3A_343 : vector<16xf32>
      %convert_element_type3A_345 = arith.fptosi %div3A_344 : vector<16xf32> to vector<16xi32>
      %swap3A_346 = arith.index_cast %rem3A_279 : i32 to index
      %swap3A_347 = arith.constant 48 : index
      %swap3A_348 = tpu.vector_load %arg6[%swap3A_346, %swap3A_347] {strides = array<i32>} : memref<4x128xi32, #tpu.memory_space<vmem>>, vector<1x16xi32>,
      %swap3A_349 = vector.shape_cast %swap3A_348 : vector<1x16xi32> to vector<16xi32>
      %swap3A_350 = vector.shape_cast %convert_element_type3A_345 : vector<16xi32> to vector<1x16xi32>
      tpu.vector_store %arg6[%swap3A_346, %swap3A_347], %swap3A_350 {strides = array<i32>} : memref<4x128xi32, #tpu.memory_space<vmem>>, vector<1x16xi32>,
      %get3A_351 = arith.index_cast %rem3A_279 : i32 to index
      %get3A_352 = arith.constant 64 : index
      %get3A_353 = tpu.vector_load %arg5[%get3A_351, %get3A_352] {strides = array<i32>} : memref<4x128xf32, #tpu.memory_space<vmem>>, vector<1x16xf32>,
      %get3A_354 = vector.shape_cast %get3A_353 : vector<1x16xf32> to vector<16xf32>
      %max3A_355 = arith.constant 0.000000e+00 : f32
      %max3A_356 = vector.broadcast %max3A_355 : f32 to vector<16xf32>
      %max3A_357 = arith.maximumf %get3A_354, %max3A_356 : vector<16xf32>
      %min3A_358 = arith.constant 1.000000e+02 : f32
      %min3A_359 = vector.broadcast %min3A_358 : f32 to vector<16xf32>
      %min3A_360 = arith.minimumf %max3A_357, %min3A_359 : vector<16xf32>
      %div3A_361 = arith.constant 5.000000e+00 : f32
      %div3A_362 = vector.broadcast %div3A_361 : f32 to vector<16xf32>
      %div3A_363 = arith.divf %min3A_360, %div3A_362 : vector<16xf32>
      %convert_element_type3A_364 = arith.fptosi %div3A_363 : vector<16xf32> to vector<16xi32>
      %swap3A_365 = arith.index_cast %rem3A_279 : i32 to index
      %swap3A_366 = arith.constant 64 : index
      %swap3A_367 = tpu.vector_load %arg6[%swap3A_365, %swap3A_366] {strides = array<i32>} : memref<4x128xi32, #tpu.memory_space<vmem>>, vector<1x16xi32>,
      %swap3A_368 = vector.shape_cast %swap3A_367 : vector<1x16xi32> to vector<16xi32>
      %swap3A_369 = vector.shape_cast %convert_element_type3A_364 : vector<16xi32> to vector<1x16xi32>
      tpu.vector_store %arg6[%swap3A_365, %swap3A_366], %swap3A_369 {strides = array<i32>} : memref<4x128xi32, #tpu.memory_space<vmem>>, vector<1x16xi32>,
      %get3A_370 = arith.index_cast %rem3A_279 : i32 to index
      %get3A_371 = arith.constant 80 : index
      %get3A_372 = tpu.vector_load %arg5[%get3A_370, %get3A_371] {strides = array<i32>} : memref<4x128xf32, #tpu.memory_space<vmem>>, vector<1x16xf32>,
      %get3A_373 = vector.shape_cast %get3A_372 : vector<1x16xf32> to vector<16xf32>
      %max3A_374 = arith.constant 0.000000e+00 : f32
      %max3A_375 = vector.broadcast %max3A_374 : f32 to vector<16xf32>
      %max3A_376 = arith.maximumf %get3A_373, %max3A_375 : vector<16xf32>
      %min3A_377 = arith.constant 1.000000e+02 : f32
      %min3A_378 = vector.broadcast %min3A_377 : f32 to vector<16xf32>
      %min3A_379 = arith.minimumf %max3A_376, %min3A_378 : vector<16xf32>
      %div3A_380 = arith.constant 5.000000e+00 : f32
      %div3A_381 = vector.broadcast %div3A_380 : f32 to vector<16xf32>
      %div3A_382 = arith.divf %min3A_379, %div3A_381 : vector<16xf32>
      %convert_element_type3A_383 = arith.fptosi %div3A_382 : vector<16xf32> to vector<16xi32>
      %swap3A_384 = arith.index_cast %rem3A_279 : i32 to index
      %swap3A_385 = arith.constant 80 : index
      %swap3A_386 = tpu.vector_load %arg6[%swap3A_384, %swap3A_385] {strides = array<i32>} : memref<4x128xi32, #tpu.memory_space<vmem>>, vector<1x16xi32>,
      %swap3A_387 = vector.shape_cast %swap3A_386 : vector<1x16xi32> to vector<16xi32>
      %swap3A_388 = vector.shape_cast %convert_element_type3A_383 : vector<16xi32> to vector<1x16xi32>
      tpu.vector_store %arg6[%swap3A_384, %swap3A_385], %swap3A_388 {strides = array<i32>} : memref<4x128xi32, #tpu.memory_space<vmem>>, vector<1x16xi32>,
      %get3A_389 = arith.index_cast %rem3A_279 : i32 to index
      %get3A_390 = arith.constant 96 : index
      %get3A_391 = tpu.vector_load %arg5[%get3A_389, %get3A_390] {strides = array<i32>} : memref<4x128xf32, #tpu.memory_space<vmem>>, vector<1x16xf32>,
      %get3A_392 = vector.shape_cast %get3A_391 : vector<1x16xf32> to vector<16xf32>
      %max3A_393 = arith.constant 0.000000e+00 : f32
      %max3A_394 = vector.broadcast %max3A_393 : f32 to vector<16xf32>
      %max3A_395 = arith.maximumf %get3A_392, %max3A_394 : vector<16xf32>
      %min3A_396 = arith.constant 1.000000e+02 : f32
      %min3A_397 = vector.broadcast %min3A_396 : f32 to vector<16xf32>
      %min3A_398 = arith.minimumf %max3A_395, %min3A_397 : vector<16xf32>
      %div3A_399 = arith.constant 5.000000e+00 : f32
      %div3A_400 = vector.broadcast %div3A_399 : f32 to vector<16xf32>
      %div3A_401 = arith.divf %min3A_398, %div3A_400 : vector<16xf32>
      %convert_element_type3A_402 = arith.fptosi %div3A_401 : vector<16xf32> to vector<16xi32>
      %swap3A_403 = arith.index_cast %rem3A_279 : i32 to index
      %swap3A_404 = arith.constant 96 : index
      %swap3A_405 = tpu.vector_load %arg6[%swap3A_403, %swap3A_404] {strides = array<i32>} : memref<4x128xi32, #tpu.memory_space<vmem>>, vector<1x16xi32>,
      %swap3A_406 = vector.shape_cast %swap3A_405 : vector<1x16xi32> to vector<16xi32>
      %swap3A_407 = vector.shape_cast %convert_element_type3A_402 : vector<16xi32> to vector<1x16xi32>
      tpu.vector_store %arg6[%swap3A_403, %swap3A_404], %swap3A_407 {strides = array<i32>} : memref<4x128xi32, #tpu.memory_space<vmem>>, vector<1x16xi32>,
      %get3A_408 = arith.index_cast %rem3A_279 : i32 to index
      %get3A_409 = arith.constant 112 : index
      %get3A_410 = tpu.vector_load %arg5[%get3A_408, %get3A_409] {strides = array<i32>} : memref<4x128xf32, #tpu.memory_space<vmem>>, vector<1x16xf32>,
      %get3A_411 = vector.shape_cast %get3A_410 : vector<1x16xf32> to vector<16xf32>
      %max3A_412 = arith.constant 0.000000e+00 : f32
      %max3A_413 = vector.broadcast %max3A_412 : f32 to vector<16xf32>
      %max3A_414 = arith.maximumf %get3A_411, %max3A_413 : vector<16xf32>
      %min3A_415 = arith.constant 1.000000e+02 : f32
      %min3A_416 = vector.broadcast %min3A_415 : f32 to vector<16xf32>
      %min3A_417 = arith.minimumf %max3A_414, %min3A_416 : vector<16xf32>
      %div3A_418 = arith.constant 5.000000e+00 : f32
      %div3A_419 = vector.broadcast %div3A_418 : f32 to vector<16xf32>
      %div3A_420 = arith.divf %min3A_417, %div3A_419 : vector<16xf32>
      %convert_element_type3A_421 = arith.fptosi %div3A_420 : vector<16xf32> to vector<16xi32>
      %swap3A_422 = arith.index_cast %rem3A_279 : i32 to index
      %swap3A_423 = arith.constant 112 : index
      %swap3A_424 = tpu.vector_load %arg6[%swap3A_422, %swap3A_423] {strides = array<i32>} : memref<4x128xi32, #tpu.memory_space<vmem>>, vector<1x16xi32>,
      %swap3A_425 = vector.shape_cast %swap3A_424 : vector<1x16xi32> to vector<16xi32>
      %swap3A_426 = vector.shape_cast %convert_element_type3A_421 : vector<16xi32> to vector<1x16xi32>
      tpu.vector_store %arg6[%swap3A_422, %swap3A_423], %swap3A_426 {strides = array<i32>} : memref<4x128xi32, #tpu.memory_space<vmem>>, vector<1x16xi32>,
      %add3A_427 = arith.constant 4 : i32
      %add3A_428 = arith.addi %scan3A_260, %add3A_427 : i32
      %lt3A = arith.constant 800 : i32
      %lt3A_429 = arith.cmpi slt, %add3A_428, %lt3A : i32
      %convert_element_type3A_430 = arith.extui %lt3A_429 : i1 to i32
      %cond3A_431 = arith.constant 0 : i32
      %cond3A_432 = arith.cmpi ne, %convert_element_type3A_430, %cond3A_431 : i32
      scf.if %cond3A_432 {
        %add3A_452 = arith.constant 4 : i32
        %add3A_453 = arith.addi %scan3A_260, %add3A_452 : i32
        %mul3A_454 = arith.constant 128 : i32
        %mul3A_455 = arith.muli %add3A_453, %mul3A_454 : i32
        %add3A_456 = arith.addi %mul3A_2, %mul3A_455 : i32
        %rem3A_457 = arith.constant 4 : i32
        %rem3A_458 = arith.remsi %add3A_453, %rem3A_457 : i32
        %dma_start3A_459 = arith.constant 0 : i32
        %dma_start3A_460 = tpu.memref_slice %arg5[%rem3A_458, %dma_start3A_459] : memref<4x128xf32, #tpu.memory_space<vmem>> -> memref<1x128xf32, #tpu.memory_space<vmem>>
        %dma_start3A_461 = tpu.memref_squeeze %dma_start3A_460 : memref<1x128xf32, #tpu.memory_space<vmem>> -> memref<128xf32, #tpu.memory_space<vmem>>
        %dma_start3A_462 = tpu.memref_slice %arg2[%add3A_456] : memref<3276800xf32, #tpu.memory_space<hbm>> -> memref<128xf32, #tpu.memory_space<hbm>>
        %dma_start3A_463 = arith.constant 0 : i32
        %dma_start3A_464 = tpu.memref_slice %arg5[%rem3A_458, %dma_start3A_463] : memref<4x128xf32, #tpu.memory_space<vmem>> -> memref<1x128xf32, #tpu.memory_space<vmem>>
        %dma_start3A_465 = tpu.memref_squeeze %dma_start3A_464 : memref<1x128xf32, #tpu.memory_space<vmem>> -> memref<128xf32, #tpu.memory_space<vmem>>
        %dma_start3A_466 = tpu.memref_slice %arg2[%add3A_456] : memref<3276800xf32, #tpu.memory_space<hbm>> -> memref<128xf32, #tpu.memory_space<hbm>>
        tpu.enqueue_dma source(%dma_start3A_466 : memref<128xf32, #tpu.memory_space<hbm>>) target(%dma_start3A_465 : memref<128xf32, #tpu.memory_space<vmem>>) target_semaphore(%arg9 : memref<!tpu.dma_semaphore, #tpu.memory_space<semaphore_mem>>)
      } else {
      }
      %rem3A_433 = arith.constant 4 : i32
      %rem3A_434 = arith.remsi %scan3A_260, %rem3A_433 : i32
      %rem3A_435 = arith.constant 6 : i32
      %rem3A_436 = arith.remsi %scan3A_260, %rem3A_435 : i32
      %dma_start3A_437 = arith.constant 0 : i32
      %dma_start3A_438 = arith.constant 0 : i32
      %dma_start3A_439 = tpu.memref_slice %arg7[%rem3A_436, %dma_start3A_437, %dma_start3A_438] : memref<6x128x128xf32, #tpu.memory_space<vmem>> -> memref<1x128x128xf32, #tpu.memory_space<vmem>>
      %dma_start3A_440 = tpu.memref_squeeze %dma_start3A_439 : memref<1x128x128xf32, #tpu.memory_space<vmem>> -> memref<128x128xf32, #tpu.memory_space<vmem>>
      %dma_start3A_441 = arith.constant 0 : i32
      %dma_start3A_442 = tpu.memref_slice %arg6[%rem3A_434, %dma_start3A_441] : memref<4x128xi32, #tpu.memory_space<vmem>> -> memref<1x128xi32, #tpu.memory_space<vmem>>
      %dma_start3A_443 = tpu.memref_squeeze %dma_start3A_442 : memref<1x128xi32, #tpu.memory_space<vmem>> -> memref<128xi32, #tpu.memory_space<vmem>>
      %dma_start3A_444 = arith.constant 0 : i32
      %dma_start3A_445 = arith.constant 0 : i32
      %dma_start3A_446 = tpu.memref_slice %arg8[%dma_start3A_444, %dma_start3A_445] : memref<22x128xf32, #tpu.memory_space<vmem_shared>> -> memref<22x128xf32, #tpu.memory_space<vmem_shared>>
      tpu.enqueue_indirect_dma source(%dma_start3A_446 : memref<22x128xf32, #tpu.memory_space<vmem_shared>>) target(%dma_start3A_440 : memref<128x128xf32, #tpu.memory_space<vmem>>) offsets(%dma_start3A_443 : memref<128xi32, #tpu.memory_space<vmem>>) semaphore(%arg10 : memref<!tpu.dma_semaphore, #tpu.memory_space<semaphore_mem>>)
      %ge3A_447 = arith.constant 3 : i32
      %ge3A_448 = arith.cmpi sge, %scan3A_260, %ge3A_447 : i32
      %convert_element_type3A_449 = arith.extui %ge3A_448 : i1 to i32
      %cond3A_450 = arith.constant 0 : i32
      %cond3A_451 = arith.cmpi ne, %convert_element_type3A_449, %cond3A_450 : i32
      scf.if %cond3A_451 {
        %sub3A = arith.constant 3 : i32
        %sub3A_452 = arith.subi %scan3A_260, %sub3A : i32
        %rem3A_453 = arith.constant 4 : i32
        %rem3A_454 = arith.remsi %sub3A_452, %rem3A_453 : i32
        %rem3A_455 = arith.constant 6 : i32
        %rem3A_456 = arith.remsi %sub3A_452, %rem3A_455 : i32
        %dma_wait3A_457 = arith.constant 0 : i32
        %dma_wait3A_458 = arith.constant 0 : i32
        %dma_wait3A_459 = tpu.memref_slice %arg7[%rem3A_456, %dma_wait3A_457, %dma_wait3A_458] : memref<6x128x128xf32, #tpu.memory_space<vmem>> -> memref<1x128x128xf32, #tpu.memory_space<vmem>>
        %dma_wait3A_460 = tpu.memref_squeeze %dma_wait3A_459 : memref<1x128x128xf32, #tpu.memory_space<vmem>> -> memref<128x128xf32, #tpu.memory_space<vmem>>
        %dma_wait3A_461 = arith.constant 0 : i32
        %dma_wait3A_462 = tpu.memref_slice %arg6[%rem3A_454, %dma_wait3A_461] : memref<4x128xi32, #tpu.memory_space<vmem>> -> memref<1x128xi32, #tpu.memory_space<vmem>>
        %dma_wait3A_463 = tpu.memref_squeeze %dma_wait3A_462 : memref<1x128xi32, #tpu.memory_space<vmem>> -> memref<128xi32, #tpu.memory_space<vmem>>
        %dma_wait3A_464 = arith.constant 0 : i32
        %dma_wait3A_465 = arith.constant 0 : i32
        %dma_wait3A_466 = tpu.memref_slice %arg8[%dma_wait3A_464, %dma_wait3A_465] : memref<22x128xf32, #tpu.memory_space<vmem_shared>> -> memref<22x128xf32, #tpu.memory_space<vmem_shared>>
        tpu.wait_indirect_dma semaphore(%arg10 : memref<!tpu.dma_semaphore, #tpu.memory_space<semaphore_mem>>) src(%dma_wait3A_466 : memref<22x128xf32, #tpu.memory_space<vmem_shared>>) dst(%dma_wait3A_460 : memref<128x128xf32, #tpu.memory_space<vmem>>)
        %sub3A_467 = arith.constant 3 : i32
        %sub3A_468 = arith.subi %scan3A_260, %sub3A_467 : i32
        %rem3A_469 = arith.constant 6 : i32
        %rem3A_470 = arith.remsi %sub3A_468, %rem3A_469 : i32
        %mul3A_471 = arith.constant 128 : i32
        %mul3A_472 = arith.muli %sub3A_468, %mul3A_471 : i32
        %add3A_473 = arith.addi %mul3A_2, %mul3A_472 : i32
        %dma_start3A_474 = arith.constant 0 : i32
        %dma_start3A_475 = arith.constant 0 : i32
        %dma_start3A_476 = tpu.memref_slice %arg7[%rem3A_470, %dma_start3A_474, %dma_start3A_475] : memref<6x128x128xf32, #tpu.memory_space<vmem>> -> memref<1x128x128xf32, #tpu.memory_space<vmem>>
        %dma_start3A_477 = tpu.memref_squeeze %dma_start3A_476 : memref<1x128x128xf32, #tpu.memory_space<vmem>> -> memref<128x128xf32, #tpu.memory_space<vmem>>
        %dma_start3A_478 = arith.constant 0 : i32
        %dma_start3A_479 = tpu.memref_slice %arg4[%add3A_473, %dma_start3A_478] : memref<3276800x128xf32, #tpu.memory_space<hbm>> -> memref<128x128xf32, #tpu.memory_space<hbm>>
        %dma_start3A_480 = arith.constant 0 : i32
        %dma_start3A_481 = tpu.memref_slice %arg4[%add3A_473, %dma_start3A_480] : memref<3276800x128xf32, #tpu.memory_space<hbm>> -> memref<128x128xf32, #tpu.memory_space<hbm>>
        %dma_start3A_482 = arith.constant 0 : i32
        %dma_start3A_483 = arith.constant 0 : i32
        %dma_start3A_484 = tpu.memref_slice %arg7[%rem3A_470, %dma_start3A_482, %dma_start3A_483] : memref<6x128x128xf32, #tpu.memory_space<vmem>> -> memref<1x128x128xf32, #tpu.memory_space<vmem>>
        %dma_start3A_485 = tpu.memref_squeeze %dma_start3A_484 : memref<1x128x128xf32, #tpu.memory_space<vmem>> -> memref<128x128xf32, #tpu.memory_space<vmem>>
        tpu.enqueue_dma source(%dma_start3A_485 : memref<128x128xf32, #tpu.memory_space<vmem>>) target(%dma_start3A_481 : memref<128x128xf32, #tpu.memory_space<hbm>>) target_semaphore(%arg11 : memref<!tpu.dma_semaphore, #tpu.memory_space<semaphore_mem>>)
      } else {
      }
    }
    %scan3A_59 = arith.constant 800 : i32
    %rem3A_60 = arith.constant 797 : i32
    %rem3A_61 = arith.constant 4 : i32
    %rem3A_62 = arith.remsi %rem3A_60, %rem3A_61 : i32
    %rem3A_63 = arith.constant 797 : i32
    %rem3A_64 = arith.constant 6 : i32
    %rem3A_65 = arith.remsi %rem3A_63, %rem3A_64 : i32
    %dma_wait3A = arith.constant 0 : i32
    %dma_wait3A_66 = arith.constant 0 : i32
    %dma_wait3A_67 = tpu.memref_slice %arg7[%rem3A_65, %dma_wait3A, %dma_wait3A_66] : memref<6x128x128xf32, #tpu.memory_space<vmem>> -> memref<1x128x128xf32, #tpu.memory_space<vmem>>
    %dma_wait3A_68 = tpu.memref_squeeze %dma_wait3A_67 : memref<1x128x128xf32, #tpu.memory_space<vmem>> -> memref<128x128xf32, #tpu.memory_space<vmem>>
    %dma_wait3A_69 = arith.constant 0 : i32
    %dma_wait3A_70 = tpu.memref_slice %arg6[%rem3A_62, %dma_wait3A_69] : memref<4x128xi32, #tpu.memory_space<vmem>> -> memref<1x128xi32, #tpu.memory_space<vmem>>
    %dma_wait3A_71 = tpu.memref_squeeze %dma_wait3A_70 : memref<1x128xi32, #tpu.memory_space<vmem>> -> memref<128xi32, #tpu.memory_space<vmem>>
    %dma_wait3A_72 = arith.constant 0 : i32
    %dma_wait3A_73 = arith.constant 0 : i32
    %dma_wait3A_74 = tpu.memref_slice %arg8[%dma_wait3A_72, %dma_wait3A_73] : memref<22x128xf32, #tpu.memory_space<vmem_shared>> -> memref<22x128xf32, #tpu.memory_space<vmem_shared>>
    tpu.wait_indirect_dma semaphore(%arg10 : memref<!tpu.dma_semaphore, #tpu.memory_space<semaphore_mem>>) src(%dma_wait3A_74 : memref<22x128xf32, #tpu.memory_space<vmem_shared>>) dst(%dma_wait3A_68 : memref<128x128xf32, #tpu.memory_space<vmem>>)
    %rem3A_75 = arith.constant 797 : i32
    %rem3A_76 = arith.constant 6 : i32
    %rem3A_77 = arith.remsi %rem3A_75, %rem3A_76 : i32
    %add3A_78 = arith.constant 102016 : i32
    %add3A_79 = arith.addi %mul3A_2, %add3A_78 : i32
    %dma_start3A_80 = arith.constant 0 : i32
    %dma_start3A_81 = arith.constant 0 : i32
    %dma_start3A_82 = tpu.memref_slice %arg7[%rem3A_77, %dma_start3A_80, %dma_start3A_81] : memref<6x128x128xf32, #tpu.memory_space<vmem>> -> memref<1x128x128xf32, #tpu.memory_space<vmem>>
    %dma_start3A_83 = tpu.memref_squeeze %dma_start3A_82 : memref<1x128x128xf32, #tpu.memory_space<vmem>> -> memref<128x128xf32, #tpu.memory_space<vmem>>
    %dma_start3A_84 = arith.constant 0 : i32
    %dma_start3A_85 = tpu.memref_slice %arg4[%add3A_79, %dma_start3A_84] : memref<3276800x128xf32, #tpu.memory_space<hbm>> -> memref<128x128xf32, #tpu.memory_space<hbm>>
    %dma_start3A_86 = arith.constant 0 : i32
    %dma_start3A_87 = tpu.memref_slice %arg4[%add3A_79, %dma_start3A_86] : memref<3276800x128xf32, #tpu.memory_space<hbm>> -> memref<128x128xf32, #tpu.memory_space<hbm>>
    %dma_start3A_88 = arith.constant 0 : i32
    %dma_start3A_89 = arith.constant 0 : i32
    %dma_start3A_90 = tpu.memref_slice %arg7[%rem3A_77, %dma_start3A_88, %dma_start3A_89] : memref<6x128x128xf32, #tpu.memory_space<vmem>> -> memref<1x128x128xf32, #tpu.memory_space<vmem>>
    %dma_start3A_91 = tpu.memref_squeeze %dma_start3A_90 : memref<1x128x128xf32, #tpu.memory_space<vmem>> -> memref<128x128xf32, #tpu.memory_space<vmem>>
    tpu.enqueue_dma source(%dma_start3A_91 : memref<128x128xf32, #tpu.memory_space<vmem>>) target(%dma_start3A_87 : memref<128x128xf32, #tpu.memory_space<hbm>>) target_semaphore(%arg11 : memref<!tpu.dma_semaphore, #tpu.memory_space<semaphore_mem>>)
    %rem3A_92 = arith.constant 798 : i32
    %rem3A_93 = arith.constant 4 : i32
    %rem3A_94 = arith.remsi %rem3A_92, %rem3A_93 : i32
    %rem3A_95 = arith.constant 798 : i32
    %rem3A_96 = arith.constant 6 : i32
    %rem3A_97 = arith.remsi %rem3A_95, %rem3A_96 : i32
    %dma_wait3A_98 = arith.constant 0 : i32
    %dma_wait3A_99 = arith.constant 0 : i32
    %dma_wait3A_100 = tpu.memref_slice %arg7[%rem3A_97, %dma_wait3A_98, %dma_wait3A_99] : memref<6x128x128xf32, #tpu.memory_space<vmem>> -> memref<1x128x128xf32, #tpu.memory_space<vmem>>
    %dma_wait3A_101 = tpu.memref_squeeze %dma_wait3A_100 : memref<1x128x128xf32, #tpu.memory_space<vmem>> -> memref<128x128xf32, #tpu.memory_space<vmem>>
    %dma_wait3A_102 = arith.constant 0 : i32
    %dma_wait3A_103 = tpu.memref_slice %arg6[%rem3A_94, %dma_wait3A_102] : memref<4x128xi32, #tpu.memory_space<vmem>> -> memref<1x128xi32, #tpu.memory_space<vmem>>
    %dma_wait3A_104 = tpu.memref_squeeze %dma_wait3A_103 : memref<1x128xi32, #tpu.memory_space<vmem>> -> memref<128xi32, #tpu.memory_space<vmem>>
    %dma_wait3A_105 = arith.constant 0 : i32
    %dma_wait3A_106 = arith.constant 0 : i32
    %dma_wait3A_107 = tpu.memref_slice %arg8[%dma_wait3A_105, %dma_wait3A_106] : memref<22x128xf32, #tpu.memory_space<vmem_shared>> -> memref<22x128xf32, #tpu.memory_space<vmem_shared>>
    tpu.wait_indirect_dma semaphore(%arg10 : memref<!tpu.dma_semaphore, #tpu.memory_space<semaphore_mem>>) src(%dma_wait3A_107 : memref<22x128xf32, #tpu.memory_space<vmem_shared>>) dst(%dma_wait3A_101 : memref<128x128xf32, #tpu.memory_space<vmem>>)
    %rem3A_108 = arith.constant 798 : i32
    %rem3A_109 = arith.constant 6 : i32
    %rem3A_110 = arith.remsi %rem3A_108, %rem3A_109 : i32
    %add3A_111 = arith.constant 102144 : i32
    %add3A_112 = arith.addi %mul3A_2, %add3A_111 : i32
    %dma_start3A_113 = arith.constant 0 : i32
    %dma_start3A_114 = arith.constant 0 : i32
    %dma_start3A_115 = tpu.memref_slice %arg7[%rem3A_110, %dma_start3A_113, %dma_start3A_114] : memref<6x128x128xf32, #tpu.memory_space<vmem>> -> memref<1x128x128xf32, #tpu.memory_space<vmem>>
    %dma_start3A_116 = tpu.memref_squeeze %dma_start3A_115 : memref<1x128x128xf32, #tpu.memory_space<vmem>> -> memref<128x128xf32, #tpu.memory_space<vmem>>
    %dma_start3A_117 = arith.constant 0 : i32
    %dma_start3A_118 = tpu.memref_slice %arg4[%add3A_112, %dma_start3A_117] : memref<3276800x128xf32, #tpu.memory_space<hbm>> -> memref<128x128xf32, #tpu.memory_space<hbm>>
    %dma_start3A_119 = arith.constant 0 : i32
    %dma_start3A_120 = tpu.memref_slice %arg4[%add3A_112, %dma_start3A_119] : memref<3276800x128xf32, #tpu.memory_space<hbm>> -> memref<128x128xf32, #tpu.memory_space<hbm>>
    %dma_start3A_121 = arith.constant 0 : i32
    %dma_start3A_122 = arith.constant 0 : i32
    %dma_start3A_123 = tpu.memref_slice %arg7[%rem3A_110, %dma_start3A_121, %dma_start3A_122] : memref<6x128x128xf32, #tpu.memory_space<vmem>> -> memref<1x128x128xf32, #tpu.memory_space<vmem>>
    %dma_start3A_124 = tpu.memref_squeeze %dma_start3A_123 : memref<1x128x128xf32, #tpu.memory_space<vmem>> -> memref<128x128xf32, #tpu.memory_space<vmem>>
    tpu.enqueue_dma source(%dma_start3A_124 : memref<128x128xf32, #tpu.memory_space<vmem>>) target(%dma_start3A_120 : memref<128x128xf32, #tpu.memory_space<hbm>>) target_semaphore(%arg11 : memref<!tpu.dma_semaphore, #tpu.memory_space<semaphore_mem>>)
    %rem3A_125 = arith.constant 799 : i32
    %rem3A_126 = arith.constant 4 : i32
    %rem3A_127 = arith.remsi %rem3A_125, %rem3A_126 : i32
    %rem3A_128 = arith.constant 799 : i32
    %rem3A_129 = arith.constant 6 : i32
    %rem3A_130 = arith.remsi %rem3A_128, %rem3A_129 : i32
    %dma_wait3A_131 = arith.constant 0 : i32
    %dma_wait3A_132 = arith.constant 0 : i32
    %dma_wait3A_133 = tpu.memref_slice %arg7[%rem3A_130, %dma_wait3A_131, %dma_wait3A_132] : memref<6x128x128xf32, #tpu.memory_space<vmem>> -> memref<1x128x128xf32, #tpu.memory_space<vmem>>
    %dma_wait3A_134 = tpu.memref_squeeze %dma_wait3A_133 : memref<1x128x128xf32, #tpu.memory_space<vmem>> -> memref<128x128xf32, #tpu.memory_space<vmem>>
    %dma_wait3A_135 = arith.constant 0 : i32
    %dma_wait3A_136 = tpu.memref_slice %arg6[%rem3A_127, %dma_wait3A_135] : memref<4x128xi32, #tpu.memory_space<vmem>> -> memref<1x128xi32, #tpu.memory_space<vmem>>
    %dma_wait3A_137 = tpu.memref_squeeze %dma_wait3A_136 : memref<1x128xi32, #tpu.memory_space<vmem>> -> memref<128xi32, #tpu.memory_space<vmem>>
    %dma_wait3A_138 = arith.constant 0 : i32
    %dma_wait3A_139 = arith.constant 0 : i32
    %dma_wait3A_140 = tpu.memref_slice %arg8[%dma_wait3A_138, %dma_wait3A_139] : memref<22x128xf32, #tpu.memory_space<vmem_shared>> -> memref<22x128xf32, #tpu.memory_space<vmem_shared>>
    tpu.wait_indirect_dma semaphore(%arg10 : memref<!tpu.dma_semaphore, #tpu.memory_space<semaphore_mem>>) src(%dma_wait3A_140 : memref<22x128xf32, #tpu.memory_space<vmem_shared>>) dst(%dma_wait3A_134 : memref<128x128xf32, #tpu.memory_space<vmem>>)
    %rem3A_141 = arith.constant 799 : i32
    %rem3A_142 = arith.constant 6 : i32
    %rem3A_143 = arith.remsi %rem3A_141, %rem3A_142 : i32
    %add3A_144 = arith.constant 102272 : i32
    %add3A_145 = arith.addi %mul3A_2, %add3A_144 : i32
    %dma_start3A_146 = arith.constant 0 : i32
    %dma_start3A_147 = arith.constant 0 : i32
    %dma_start3A_148 = tpu.memref_slice %arg7[%rem3A_143, %dma_start3A_146, %dma_start3A_147] : memref<6x128x128xf32, #tpu.memory_space<vmem>> -> memref<1x128x128xf32, #tpu.memory_space<vmem>>
    %dma_start3A_149 = tpu.memref_squeeze %dma_start3A_148 : memref<1x128x128xf32, #tpu.memory_space<vmem>> -> memref<128x128xf32, #tpu.memory_space<vmem>>
    %dma_start3A_150 = arith.constant 0 : i32
    %dma_start3A_151 = tpu.memref_slice %arg4[%add3A_145, %dma_start3A_150] : memref<3276800x128xf32, #tpu.memory_space<hbm>> -> memref<128x128xf32, #tpu.memory_space<hbm>>
    %dma_start3A_152 = arith.constant 0 : i32
    %dma_start3A_153 = tpu.memref_slice %arg4[%add3A_145, %dma_start3A_152] : memref<3276800x128xf32, #tpu.memory_space<hbm>> -> memref<128x128xf32, #tpu.memory_space<hbm>>
    %dma_start3A_154 = arith.constant 0 : i32
    %dma_start3A_155 = arith.constant 0 : i32
    %dma_start3A_156 = tpu.memref_slice %arg7[%rem3A_143, %dma_start3A_154, %dma_start3A_155] : memref<6x128x128xf32, #tpu.memory_space<vmem>> -> memref<1x128x128xf32, #tpu.memory_space<vmem>>
    %dma_start3A_157 = tpu.memref_squeeze %dma_start3A_156 : memref<1x128x128xf32, #tpu.memory_space<vmem>> -> memref<128x128xf32, #tpu.memory_space<vmem>>
    tpu.enqueue_dma source(%dma_start3A_157 : memref<128x128xf32, #tpu.memory_space<vmem>>) target(%dma_start3A_153 : memref<128x128xf32, #tpu.memory_space<hbm>>) target_semaphore(%arg11 : memref<!tpu.dma_semaphore, #tpu.memory_space<semaphore_mem>>)
    %rem3A_158 = arith.constant 794 : i32
    %rem3A_159 = arith.constant 6 : i32
    %rem3A_160 = arith.remsi %rem3A_158, %rem3A_159 : i32
    %add3A_161 = arith.constant 101632 : i32
    %add3A_162 = arith.addi %mul3A_2, %add3A_161 : i32
    %dma_wait3A_163 = arith.constant 0 : i32
    %dma_wait3A_164 = arith.constant 0 : i32
    %dma_wait3A_165 = tpu.memref_slice %arg7[%rem3A_160, %dma_wait3A_163, %dma_wait3A_164] : memref<6x128x128xf32, #tpu.memory_space<vmem>> -> memref<1x128x128xf32, #tpu.memory_space<vmem>>
    %dma_wait3A_166 = tpu.memref_squeeze %dma_wait3A_165 : memref<1x128x128xf32, #tpu.memory_space<vmem>> -> memref<128x128xf32, #tpu.memory_space<vmem>>
    %dma_wait3A_167 = arith.constant 0 : i32
    %dma_wait3A_168 = tpu.memref_slice %arg4[%add3A_162, %dma_wait3A_167] : memref<3276800x128xf32, #tpu.memory_space<hbm>> -> memref<128x128xf32, #tpu.memory_space<hbm>>
    %dma_wait3A_169 = arith.constant 0 : i32
    %dma_wait3A_170 = tpu.memref_slice %arg4[%add3A_162, %dma_wait3A_169] : memref<3276800x128xf32, #tpu.memory_space<hbm>> -> memref<128x128xf32, #tpu.memory_space<hbm>>
    %dma_wait3A_171 = arith.constant 0 : i32
    %dma_wait3A_172 = arith.constant 0 : i32
    %dma_wait3A_173 = tpu.memref_slice %arg7[%rem3A_160, %dma_wait3A_171, %dma_wait3A_172] : memref<6x128x128xf32, #tpu.memory_space<vmem>> -> memref<1x128x128xf32, #tpu.memory_space<vmem>>
    %dma_wait3A_174 = tpu.memref_squeeze %dma_wait3A_173 : memref<1x128x128xf32, #tpu.memory_space<vmem>> -> memref<128x128xf32, #tpu.memory_space<vmem>>
    tpu.wait_dma2 semaphore(%arg11 : memref<!tpu.dma_semaphore, #tpu.memory_space<semaphore_mem>>) src(%dma_wait3A_174 : memref<128x128xf32, #tpu.memory_space<vmem>>) dst(%dma_wait3A_170 : memref<128x128xf32, #tpu.memory_space<hbm>>)
    %rem3A_175 = arith.constant 795 : i32
    %rem3A_176 = arith.constant 6 : i32
    %rem3A_177 = arith.remsi %rem3A_175, %rem3A_176 : i32
    %add3A_178 = arith.constant 101760 : i32
    %add3A_179 = arith.addi %mul3A_2, %add3A_178 : i32
    %dma_wait3A_180 = arith.constant 0 : i32
    %dma_wait3A_181 = arith.constant 0 : i32
    %dma_wait3A_182 = tpu.memref_slice %arg7[%rem3A_177, %dma_wait3A_180, %dma_wait3A_181] : memref<6x128x128xf32, #tpu.memory_space<vmem>> -> memref<1x128x128xf32, #tpu.memory_space<vmem>>
    %dma_wait3A_183 = tpu.memref_squeeze %dma_wait3A_182 : memref<1x128x128xf32, #tpu.memory_space<vmem>> -> memref<128x128xf32, #tpu.memory_space<vmem>>
    %dma_wait3A_184 = arith.constant 0 : i32
    %dma_wait3A_185 = tpu.memref_slice %arg4[%add3A_179, %dma_wait3A_184] : memref<3276800x128xf32, #tpu.memory_space<hbm>> -> memref<128x128xf32, #tpu.memory_space<hbm>>
    %dma_wait3A_186 = arith.constant 0 : i32
    %dma_wait3A_187 = tpu.memref_slice %arg4[%add3A_179, %dma_wait3A_186] : memref<3276800x128xf32, #tpu.memory_space<hbm>> -> memref<128x128xf32, #tpu.memory_space<hbm>>
    %dma_wait3A_188 = arith.constant 0 : i32
    %dma_wait3A_189 = arith.constant 0 : i32
    %dma_wait3A_190 = tpu.memref_slice %arg7[%rem3A_177, %dma_wait3A_188, %dma_wait3A_189] : memref<6x128x128xf32, #tpu.memory_space<vmem>> -> memref<1x128x128xf32, #tpu.memory_space<vmem>>
    %dma_wait3A_191 = tpu.memref_squeeze %dma_wait3A_190 : memref<1x128x128xf32, #tpu.memory_space<vmem>> -> memref<128x128xf32, #tpu.memory_space<vmem>>
    tpu.wait_dma2 semaphore(%arg11 : memref<!tpu.dma_semaphore, #tpu.memory_space<semaphore_mem>>) src(%dma_wait3A_191 : memref<128x128xf32, #tpu.memory_space<vmem>>) dst(%dma_wait3A_187 : memref<128x128xf32, #tpu.memory_space<hbm>>)
    %rem3A_192 = arith.constant 796 : i32
    %rem3A_193 = arith.constant 6 : i32
    %rem3A_194 = arith.remsi %rem3A_192, %rem3A_193 : i32
    %add3A_195 = arith.constant 101888 : i32
    %add3A_196 = arith.addi %mul3A_2, %add3A_195 : i32
    %dma_wait3A_197 = arith.constant 0 : i32
    %dma_wait3A_198 = arith.constant 0 : i32
    %dma_wait3A_199 = tpu.memref_slice %arg7[%rem3A_194, %dma_wait3A_197, %dma_wait3A_198] : memref<6x128x128xf32, #tpu.memory_space<vmem>> -> memref<1x128x128xf32, #tpu.memory_space<vmem>>
    %dma_wait3A_200 = tpu.memref_squeeze %dma_wait3A_199 : memref<1x128x128xf32, #tpu.memory_space<vmem>> -> memref<128x128xf32, #tpu.memory_space<vmem>>
    %dma_wait3A_201 = arith.constant 0 : i32
    %dma_wait3A_202 = tpu.memref_slice %arg4[%add3A_196, %dma_wait3A_201] : memref<3276800x128xf32, #tpu.memory_space<hbm>> -> memref<128x128xf32, #tpu.memory_space<hbm>>
    %dma_wait3A_203 = arith.constant 0 : i32
    %dma_wait3A_204 = tpu.memref_slice %arg4[%add3A_196, %dma_wait3A_203] : memref<3276800x128xf32, #tpu.memory_space<hbm>> -> memref<128x128xf32, #tpu.memory_space<hbm>>
    %dma_wait3A_205 = arith.constant 0 : i32
    %dma_wait3A_206 = arith.constant 0 : i32
    %dma_wait3A_207 = tpu.memref_slice %arg7[%rem3A_194, %dma_wait3A_205, %dma_wait3A_206] : memref<6x128x128xf32, #tpu.memory_space<vmem>> -> memref<1x128x128xf32, #tpu.memory_space<vmem>>
    %dma_wait3A_208 = tpu.memref_squeeze %dma_wait3A_207 : memref<1x128x128xf32, #tpu.memory_space<vmem>> -> memref<128x128xf32, #tpu.memory_space<vmem>>
    tpu.wait_dma2 semaphore(%arg11 : memref<!tpu.dma_semaphore, #tpu.memory_space<semaphore_mem>>) src(%dma_wait3A_208 : memref<128x128xf32, #tpu.memory_space<vmem>>) dst(%dma_wait3A_204 : memref<128x128xf32, #tpu.memory_space<hbm>>)
    %rem3A_209 = arith.constant 797 : i32
    %rem3A_210 = arith.constant 6 : i32
    %rem3A_211 = arith.remsi %rem3A_209, %rem3A_210 : i32
    %add3A_212 = arith.constant 102016 : i32
    %add3A_213 = arith.addi %mul3A_2, %add3A_212 : i32
    %dma_wait3A_214 = arith.constant 0 : i32
    %dma_wait3A_215 = arith.constant 0 : i32
    %dma_wait3A_216 = tpu.memref_slice %arg7[%rem3A_211, %dma_wait3A_214, %dma_wait3A_215] : memref<6x128x128xf32, #tpu.memory_space<vmem>> -> memref<1x128x128xf32, #tpu.memory_space<vmem>>
    %dma_wait3A_217 = tpu.memref_squeeze %dma_wait3A_216 : memref<1x128x128xf32, #tpu.memory_space<vmem>> -> memref<128x128xf32, #tpu.memory_space<vmem>>
    %dma_wait3A_218 = arith.constant 0 : i32
    %dma_wait3A_219 = tpu.memref_slice %arg4[%add3A_213, %dma_wait3A_218] : memref<3276800x128xf32, #tpu.memory_space<hbm>> -> memref<128x128xf32, #tpu.memory_space<hbm>>
    %dma_wait3A_220 = arith.constant 0 : i32
    %dma_wait3A_221 = tpu.memref_slice %arg4[%add3A_213, %dma_wait3A_220] : memref<3276800x128xf32, #tpu.memory_space<hbm>> -> memref<128x128xf32, #tpu.memory_space<hbm>>
    %dma_wait3A_222 = arith.constant 0 : i32
    %dma_wait3A_223 = arith.constant 0 : i32
    %dma_wait3A_224 = tpu.memref_slice %arg7[%rem3A_211, %dma_wait3A_222, %dma_wait3A_223] : memref<6x128x128xf32, #tpu.memory_space<vmem>> -> memref<1x128x128xf32, #tpu.memory_space<vmem>>
    %dma_wait3A_225 = tpu.memref_squeeze %dma_wait3A_224 : memref<1x128x128xf32, #tpu.memory_space<vmem>> -> memref<128x128xf32, #tpu.memory_space<vmem>>
    tpu.wait_dma2 semaphore(%arg11 : memref<!tpu.dma_semaphore, #tpu.memory_space<semaphore_mem>>) src(%dma_wait3A_225 : memref<128x128xf32, #tpu.memory_space<vmem>>) dst(%dma_wait3A_221 : memref<128x128xf32, #tpu.memory_space<hbm>>)
    %rem3A_226 = arith.constant 798 : i32
    %rem3A_227 = arith.constant 6 : i32
    %rem3A_228 = arith.remsi %rem3A_226, %rem3A_227 : i32
    %add3A_229 = arith.constant 102144 : i32
    %add3A_230 = arith.addi %mul3A_2, %add3A_229 : i32
    %dma_wait3A_231 = arith.constant 0 : i32
    %dma_wait3A_232 = arith.constant 0 : i32
    %dma_wait3A_233 = tpu.memref_slice %arg7[%rem3A_228, %dma_wait3A_231, %dma_wait3A_232] : memref<6x128x128xf32, #tpu.memory_space<vmem>> -> memref<1x128x128xf32, #tpu.memory_space<vmem>>
    %dma_wait3A_234 = tpu.memref_squeeze %dma_wait3A_233 : memref<1x128x128xf32, #tpu.memory_space<vmem>> -> memref<128x128xf32, #tpu.memory_space<vmem>>
    %dma_wait3A_235 = arith.constant 0 : i32
    %dma_wait3A_236 = tpu.memref_slice %arg4[%add3A_230, %dma_wait3A_235] : memref<3276800x128xf32, #tpu.memory_space<hbm>> -> memref<128x128xf32, #tpu.memory_space<hbm>>
    %dma_wait3A_237 = arith.constant 0 : i32
    %dma_wait3A_238 = tpu.memref_slice %arg4[%add3A_230, %dma_wait3A_237] : memref<3276800x128xf32, #tpu.memory_space<hbm>> -> memref<128x128xf32, #tpu.memory_space<hbm>>
    %dma_wait3A_239 = arith.constant 0 : i32
    %dma_wait3A_240 = arith.constant 0 : i32
    %dma_wait3A_241 = tpu.memref_slice %arg7[%rem3A_228, %dma_wait3A_239, %dma_wait3A_240] : memref<6x128x128xf32, #tpu.memory_space<vmem>> -> memref<1x128x128xf32, #tpu.memory_space<vmem>>
    %dma_wait3A_242 = tpu.memref_squeeze %dma_wait3A_241 : memref<1x128x128xf32, #tpu.memory_space<vmem>> -> memref<128x128xf32, #tpu.memory_space<vmem>>
    tpu.wait_dma2 semaphore(%arg11 : memref<!tpu.dma_semaphore, #tpu.memory_space<semaphore_mem>>) src(%dma_wait3A_242 : memref<128x128xf32, #tpu.memory_space<vmem>>) dst(%dma_wait3A_238 : memref<128x128xf32, #tpu.memory_space<hbm>>)
    %rem3A_243 = arith.constant 799 : i32
    %rem3A_244 = arith.constant 6 : i32
    %rem3A_245 = arith.remsi %rem3A_243, %rem3A_244 : i32
    %add3A_246 = arith.constant 102272 : i32
    %add3A_247 = arith.addi %mul3A_2, %add3A_246 : i32
    %dma_wait3A_248 = arith.constant 0 : i32
    %dma_wait3A_249 = arith.constant 0 : i32
    %dma_wait3A_250 = tpu.memref_slice %arg7[%rem3A_245, %dma_wait3A_248, %dma_wait3A_249] : memref<6x128x128xf32, #tpu.memory_space<vmem>> -> memref<1x128x128xf32, #tpu.memory_space<vmem>>
    %dma_wait3A_251 = tpu.memref_squeeze %dma_wait3A_250 : memref<1x128x128xf32, #tpu.memory_space<vmem>> -> memref<128x128xf32, #tpu.memory_space<vmem>>
    %dma_wait3A_252 = arith.constant 0 : i32
    %dma_wait3A_253 = tpu.memref_slice %arg4[%add3A_247, %dma_wait3A_252] : memref<3276800x128xf32, #tpu.memory_space<hbm>> -> memref<128x128xf32, #tpu.memory_space<hbm>>
    %dma_wait3A_254 = arith.constant 0 : i32
    %dma_wait3A_255 = tpu.memref_slice %arg4[%add3A_247, %dma_wait3A_254] : memref<3276800x128xf32, #tpu.memory_space<hbm>> -> memref<128x128xf32, #tpu.memory_space<hbm>>
    %dma_wait3A_256 = arith.constant 0 : i32
    %dma_wait3A_257 = arith.constant 0 : i32
    %dma_wait3A_258 = tpu.memref_slice %arg7[%rem3A_245, %dma_wait3A_256, %dma_wait3A_257] : memref<6x128x128xf32, #tpu.memory_space<vmem>> -> memref<1x128x128xf32, #tpu.memory_space<vmem>>
    %dma_wait3A_259 = tpu.memref_squeeze %dma_wait3A_258 : memref<1x128x128xf32, #tpu.memory_space<vmem>> -> memref<128x128xf32, #tpu.memory_space<vmem>>
    tpu.wait_dma2 semaphore(%arg11 : memref<!tpu.dma_semaphore, #tpu.memory_space<semaphore_mem>>) src(%dma_wait3A_259 : memref<128x128xf32, #tpu.memory_space<vmem>>) dst(%dma_wait3A_255 : memref<128x128xf32, #tpu.memory_space<hbm>>)
    return
  }
}

</mosaic_0001>

<sc_bundles>
// kernel: kernel.3.cloned.1.call-start
scs
__scs_entry_jumppad:
0x0: {  	(pc) =	sbr.rel $0x88, $3  }
0x1: {  	(tag) =	ssettag $0x0;
	lr =	simm.s32 $0x1  }
0x2: {  	[smem:$0x3F9F] =	sst lr;
	_ =	strace $0xD0000000  }
0x3: {  	_ = 	snop  }
0x4: {  	_ = 	snop  }
0x5: {  	_ = 	snop  }
0x6: {  	_ = 	snop  }
0x7: {  	_ = 	snop  }
__scs_overlays_trampoline_lowered:
0x8: {  	[smem:$0x3FAE] =	sst s0  }
0x9: {  	[smem:$0x3FAF] =	sst s1  }
0xa: {  	[smem:$0x3FB0] =	sst s2  }
0xb: {  	[smem:$0x3FB1] =	sst s3  }
0xc: {  	[smem:$0x3FB2] =	sst s4  }
0xd: {  	[smem:$0x3FB3] =	sst s5  }
0xe: {  	[smem:$0x3FB4] =	sst s6  }
0xf: {  	[smem:$0x3FB5] =	sst s7  }
0x10: {  	[smem:$0x3FB6] =	sst s8  }
0x11: {  	[smem:$0x3FB7] =	sst s9;
	s0 =	simm.s32 @!p0 $0x0  }
0x12: {  	s1 =	sld [smem:$0x3F9D];
	s0 =	simm.s32 @p0 $0x1  }
0x13: {  	[smem:$0x3FB8] =	sst s0;
	s0 =	simm.s32 @!p1 $0x0  }
0x14: {  	s2 =	sld [smem:$0x3F9C];
	s0 =	simm.s32 @p1 $0x1  }
0x15: {  	[smem:$0x3FB9] =	sst s0;
	s0 =	simm.s32 @!p2 $0x0  }
0x16: {  	s3 =	sld [smem:$0x3FDB];
	s0 =	simm.s32 @p2 $0x1  }
0x17: {  	s4 =	simm.s32 $0x1BF5;
	[smem:$0x3FBB] =	sst s0  }
0x18: {  	s0 =	sld [smem:$0x3F9E];
	_ =	swait.ge [sflag:s4], $0x0  }
0x19: {  	s7 =	sld [smem:$0x3F9F]  }
0x1a: {  	s8 =	sadd.s32 $0xFFFFE003, lr  }
0x1b: {  	s9 =	sadd.s32 $0xFFFFFEF7, lr;
	s5 =	simm.s32 $0xFFFFFFFF;
	p2 =	slt.u32 s8, $0xFFFFF086  }
0x1c: {  	p1 =	slt.u32 s9, $0xF7A;
	s5 =	simm.s32 @!p2 $0x0  }
0x1d: {  	s5 =	simm.s32 @p1 $0x1;
	p0 =	seq.s32 s7, s2  }
0x1e: {  	s7 =	smul.u32 @!p0 $0xF7A, s2;
	p2 =	seq.s32 @!p0 s5, $0x0  }
0x1f: {  	s9 =	smul.u32 $0xF7A, s1;
	s8 =	simm.s32 @!p0 $0x1BF5;
	p2 =	por !p2, p0  }
0x20: {  	[sflag:s8] =	ssyncset.s32 @!p0 $0xFFFFF086;
	s6 =	sadd.s32 @!p0 s3, s7;
	s7 =	simm.s32 @!p0 $0x108  }
0x21: {  	s3 =	sadd.s32 s3, s9;
	s6 =	sadd.s32 @!p0 $0x88, s6;
	s7 =	simm.s32 @p2 $0x1082  }
0x22: {  	[simem:s7], [sflag:s8] =	dma.local @!p0 [hbm:s6], $0xF7A  }
0x23: {  	s9 =	sor.u32 $0xD0000000, s2;
	s6 =	simm.s32 $0x108;
	_ =	swait.ge @!p0 [sflag:s8], $0x0  }
0x24: {  	s3 =	sadd.s32 $0x88, s3;
	s6 =	simm.s32 @!p1 $0x1082;
	[sflag:s4] =	ssyncset.s32 $0xFFFFF086  }
0x25: {  	[simem:s6], [sflag:s4] =	dma.local [hbm:s3], $0xF7A  }
0x26: {  	[smem:$0x3F9F] =	sst s1;
	(tag) =	ssettag s2;
	_ =	strace s9  }
0x27: {  	s1 =	sld [smem:$0x3FAF]  }
0x28: {  	s2 =	sld [smem:$0x3FB0]  }
0x29: {  	s4 =	sld [smem:$0x3FB2]  }
0x2a: {  	p0 =	seq.s32 s5, $0x0;
	s5 =	sld [smem:$0x3FB3]  }
0x2b: {  	s6 =	sld [smem:$0x3FB4]  }
0x2c: {  	s7 =	sld [smem:$0x3FB5]  }
0x2d: {  	s3 =	simm.s32 $0x108;
	s8 =	sld [smem:$0x3FB6]  }
0x2e: {  	s3 =	simm.s32 @!p0 $0x1082;
	s9 =	sld [smem:$0x3FB7]  }
0x2f: {  	lr =	sadd.s32 s0, s3;
	s0 =	sld [smem:$0x3FAE]  }
0x30: {  	s3 =	sld [smem:$0x3FB1]  }
0x31: {  	[smem:$0x3FBA] =	sst s10  }
0x32: {  	s10 =	sld [smem:$0x3FB8];
	_ =	sdelay $0x3  }
0x33: {  	p0 =	seq.s32 s10, $0x1;
	s10 =	sld [smem:$0x3FBA];
	_ =	sdelay $0x3  }
0x34: {  	[smem:$0x3FBA] =	sst s10  }
0x35: {  	s10 =	sld [smem:$0x3FB9];
	_ =	sdelay $0x3  }
0x36: {  	p1 =	seq.s32 s10, $0x1;
	s10 =	sld [smem:$0x3FBA];
	_ =	sdelay $0x3  }
0x37: {  	[smem:$0x3FBA] =	sst s10  }
0x38: {  	s10 =	sld [smem:$0x3FBB]  }
0x39: {  	_ = 	snop;
	(pc) =	sbr.ind lr, $3  }
0x3a: {  	_ = 	snop  }
0x3b: {  	_ = 	snop  }
0x3c: {  	p2 =	seq.s32 s10, $0x1;
	s10 =	sld [smem:$0x3FBA]  }
0x3d: {  	_ =	shalt  }
0x3e: {  	_ =	shalt  }
0x3f: {  	_ =	shalt  }
0x40: {  	_ =	shalt  }
0x41: {  	_ =	shalt  }
0x42: {  	_ =	shalt  }
0x43: {  	_ =	shalt  }
0x44: {  	_ =	shalt  }
0x45: {  	_ =	shalt  }
0x46: {  	_ =	shalt  }
0x47: {  	_ =	shalt  }
0x48: {  	_ =	shalt  }
0x49: {  	_ =	shalt  }
0x4a: {  	_ =	shalt  }
0x4b: {  	_ =	shalt  }
0x4c: {  	_ =	shalt  }
0x4d: {  	_ =	shalt  }
0x4e: {  	_ =	shalt  }
0x4f: {  	_ =	shalt  }
0x50: {  	_ =	shalt  }
0x51: {  	_ =	shalt  }
0x52: {  	_ =	shalt  }
0x53: {  	_ =	shalt  }
0x54: {  	_ =	shalt  }
0x55: {  	_ =	shalt  }
0x56: {  	_ =	shalt  }
0x57: {  	_ =	shalt  }
0x58: {  	_ =	shalt  }
0x59: {  	_ =	shalt  }
0x5a: {  	_ =	shalt  }
0x5b: {  	_ =	shalt  }
0x5c: {  	_ =	shalt  }
0x5d: {  	_ =	shalt  }
0x5e: {  	_ =	shalt  }
0x5f: {  	_ =	shalt  }
0x60: {  	_ =	shalt  }
0x61: {  	_ =	shalt  }
0x62: {  	_ =	shalt  }
0x63: {  	_ =	shalt  }
0x64: {  	_ =	shalt  }
0x65: {  	_ =	shalt  }
0x66: {  	_ =	shalt  }
0x67: {  	_ =	shalt  }
0x68: {  	_ =	shalt  }
0x69: {  	_ =	shalt  }
0x6a: {  	_ =	shalt  }
0x6b: {  	_ =	shalt  }
0x6c: {  	_ =	shalt  }
0x6d: {  	_ =	shalt  }
0x6e: {  	_ =	shalt  }
0x6f: {  	_ =	shalt  }
0x70: {  	_ =	shalt  }
0x71: {  	_ =	shalt  }
0x72: {  	_ =	shalt  }
0x73: {  	_ =	shalt  }
0x74: {  	_ =	shalt  }
0x75: {  	_ =	shalt  }
0x76: {  	_ =	shalt  }
0x77: {  	_ =	shalt  }
0x78: {  	_ =	shalt  }
0x79: {  	_ =	shalt  }
0x7a: {  	_ =	shalt  }
0x7b: {  	_ =	shalt  }
0x7c: {  	_ =	shalt  }
0x7d: {  	_ =	shalt  }
0x7e: {  	_ =	shalt  }
0x7f: {  	_ =	shalt  }
0x80: {  	_ =	shalt  }
0x81: {  	_ =	shalt  }
0x82: {  	_ =	shalt  }
0x83: {  	_ =	shalt  }
0x84: {  	_ =	shalt  }
0x85: {  	_ =	shalt  }
0x86: {  	_ =	shalt  }
0x87: {  	_ =	shalt  }
.Lfunc_end0:
.L_simem_size_0:
called_computation_lowered:
.L_overlay_start_0:
0x88: {  	s2 =	sld [smem:$0x3FD9]  }
0x89: {  	s3 =	sld [smem:$0x3FFE];
	_ =	sdelay $0x1  }
0x8a: {  	s1 =	srdreg.scid  }
0x8b: {  	s0 =	sand.u32 $0x1, s1  }
0x8c: {  	s17 =	sshll.u32 s0, $0xA;
	s2 =	sadd.s32 s3, s2  }
0x8d: {  	s2 =	sadd.s32 s2, s17  }
0x8e: {  	[smem:$0x3FC6] =	sst s2  }
0x8f: {  	_ = 	snop  }
0x90: {  	s2 =	sld [smem:$0x3FC8]  }
0x91: {  	s18 =	sld [smem:$0x3FD0];
	(tm) =	ssettm $0x1  }
0x92: {  	s4 =	sld [smem:$0x3FFB];
	_ =	sdelay $0x3  }
0x93: {  	_ =	strace s4  }
0x94: {  	s4 =	sld [smem:$0x3FFC];
	_ =	sdelay $0x3  }
0x95: {  	_ =	strace s4  }
0x96: {  	s4 =	sld [smem:$0x3FFD];
	_ =	sdelay $0x3  }
0x97: {  	_ =	strace s4  }
0x98: {  	_ =	strace $0x8FFFFFFF  }
0x99: {  	s19 =	sld [smem:$0x3FDB];
	_ =	sdelay $0x1  }
0x9a: {  	s5 =	simm.s32 $_scs_section_size  }
0x9b: {  	s6 =	simm.s32 $_size__tile_overlayer_lowered;
	s7 =	simm.s32 $_tile_overlayer_lowered  }
0x9c: {  	s22 =	simm.s32 $0x1BFF;
	s21 =	sshll.u32 s7, $0x1;
	s4 =	sadd.s32 s5, s19  }
0x9d: {  	s8 =	simm.s32 $0x0;
	s20 =	sshll.u32 s6, $0x1;
	s6 =	sadd.s32 s21, s4  }
0x9e: {  	[timem:s8], [sflag:s22] =	dma.local [hbm:s6], s20  }
0x9f: {  	_ =	swait.ge [sflag:s22], s20  }
0xa0: {  	s5 =	ssub.s32 $0x0, s20;
	[sflag:s22] =	ssyncset.done $0x0  }
0xa1: {  	[sflag:s22] =	ssyncadd.s32 s5;
	_ =	sdelay $0x1  }
0xa2: {  	s23 =	simm.s32 $0x1B8B  }
0xa3: {  	_ =	swait.ge [sflag:s23], $0x1  }
0xa4: {  	[sflag:s23] =	ssyncset.done $0x0  }
0xa5: {  	s25 =	simm.s32 $0x1B8E;
	s24 =	sld [smem:$0x3FFE];
	[sflag:s23] =	ssyncadd.s32 $0xFFFFFFFF  }
0xa6: {  	s26 =	simm.s32 $execute0_lowered;
	[smem:$0x3FD2] =	sst s25  }
0xa7: {  	s6 =	sshll.u32 s26, $0x1;
	_ =	strace $0x80000046;
	[dreg:$0x1] =	wrdreg $0xFFFFFFFF  }
0xa8: {  	s28 =	simm.s32 $_size_execute0_lowered;
	s4 =	sadd.s32 s4, s6;
	[dreg:$0x0] =	wrdreg $0x0  }
0xa9: {  	s6 =	sshll.u32 s28, $0x1;
	[dreg:$0x2] =	wrdreg s4  }
0xaa: {  	[dreg:$0x3] =	wrdreg s6  }
0xab: {  	[dreg:$0x4] =	wrdreg $0xC0  }
0xac: {  	_ =	task [dreg:s8], $0x5FFFF  }
0xad: {  	[dreg:$0x1] =	wrdreg $0xFFFFFFFF  }
0xae: {  	[dreg:$0x0] =	wrdreg $0x60  }
0xaf: {  	[dreg:$0x2] =	wrdreg s24  }
0xb0: {  	[dreg:$0x3] =	wrdreg s2  }
0xb1: {  	[dreg:$0x4] =	wrdreg s18  }
0xb2: {  	[dreg:$0x5] =	wrdreg $0x184000  }
0xb3: {  	[dreg:$0x6] =	wrdreg $0x9  }
0xb4: {  	_ =	task.clear_ibuf [dreg:s8], $0x7FFFF;
	_ =	strace $0x90000046  }
0xb5: {  	s29 =	simm.s32 $0x9;
	_ =	strace $0x80000048  }
0xb6: {  	_ =	swait.ge [sflag:s29], $0x1  }
0xb7: {  	[sflag:s29] =	ssyncadd.s32 $0xFFFFFFFF  }
0xb8: {  	_ =	strace $0x90000048  }
0xb9: {  	_ =	sfence  }
0xba: {  	s30 =	sld [smem:$0x0];
	_ =	sdelay $0x2  }
0xbb: {  	s31 =	sshll.u32 s1, $0xD;
	s1 =	sshrl.u32 s1, $0x2  }
0xbc: {  	s3 =	sand.u32 $0x4000, s31;
	s1 =	sadd.s32 s1, s30  }
0xbd: {  	s0 =	sor.u32 s3, s0;
	s1 =	sshll.u32 s1, $0x11  }
0xbe: {  	s0 =	sor.u32 s1, s0  }
0xbf: {  	s0 =	sadd.s32 $0x8F2B, s0  }
0xc0: {  	[sflag:s0] =	ssyncadd.remote.s32 $0x1  }
0xc1: {  	_ =	sfence.sel $0xFFFF  }
0xc2: {  	[dreg:$0x0] =	wrdreg $0xFFFFFFFF;
	(pc) =	sbr.abs _section_cstart, $3  }
0xc3: {  	[dreg:$0x1] =	wrdreg $0xFFFFFFFF  }
0xc4: {  	_ =	task.clear_ibuf [dreg:s8], $0x2FFFF;
	_ =	strace $0x9FFFFFFF  }
0xc5: {  	(tm) =	ssettm $0x7FFFFFFF  }
tec
execute0_lowered:
.L_overlay_start_1:
0x0: {  	(tag) =	ssettag $0x1  }
0x1: {  	s0 =	rddreg [dreg:$0x0]  }
0x2: {  	s1 =	rddreg [dreg:$0x2];
	s2 =	srdreg.scid  }
0x3: {  	s14 =	stileid.u32;
	s3 =	rddreg [dreg:$0x3]  }
0x4: {  	s4 =	simm.s32 $0x0;
	s18 =	simm.s32 $0x180;
	s19 =	simm.s32 $0x1  }
0x5: {  	s20 =	simm.s32 $0x2;
	s21 =	simm.s32 $0x14400;
	s22 =	simm.s32 $0x400  }
0x6: {  	s23 =	simm.s32 $0x4400;
	s24 =	simm.s32 $0x3;
	s13 =	smul.u32 $0x1900000, s14  }
0x7: {  	s2 =	sand.u32 $0x1, s2;
	[smem:$0x7FF] =	sst s4;
	s15 =	smul.u32 $0x32000, s14  }
0x8: {  	v0 =	vimm.f32 $5.000000000e+00;
	s5 =	sshll.u32 s14, $0x1;
	_ =	strace $0x80000047;
	s16 =	smul.u32 $0x19000, s2  }
0x9: {  	s5 =	sor.u32 s2, s5;
	s7 =	ssub.s32 $0x2, s2;
	s2 =	smul.u32 $0xC80000, s2;
	(erf) = vrcp.f32 v0  }
0xa: {  	s25 =	simm.s32 $0x0;
	s0 =	sadd.s32 $0x400, s0;
	s6 =	smul.u32 $0x19000, s5  }
0xb: {  	p0 =	sne.s32 s14, $0x0;
	s8 =	sshrl.u32 s7, $0x1;
	s9 =	smul.u32 $0xC80000, s5  }
0xc: {  	s12 =	ssub.s32 s7, s8;
	s15 =	sadd.s32 s16, s15;
	s2 =	sadd.s32 s2, s13  }
0xd: {  	s16 =	simm.s32 $0x80;
	s6 =	sshrl.u32 s6, $0x3;
	s30 =	sshrl.u32 s9, $0x3  }
.Ltmp0:
0xe: {  	s12 =	smax.u32 s12, $0x1;
	s15 =	sor.u32 $0x200, s15;
	(pc) =	sbr.rel .LBB2_1-.Ltmp0, $4  }
0xf: {  	s13 =	sadd.s32 $0xFFFF4000, s2;
	s5 =	sadd.s32 s0, s6;
	s11 =	sadd.s32 s1, s30  }
0x10: {  	s31 =	sshrl.u32 s15, $0x3;
	s15 =	sshrl.u32 @!p0 s3, $0x3;
	s6 =	sadd.s32 $0x10, s5  }
0x11: {  	s7 =	sadd.s32 $0x20, s5;
	s8 =	sadd.s32 $0x30, s5;
	s9 =	sadd.s32 $0x18E800, s11  }
0x12: {  	s10 =	sadd.s32 $0x18F000, s11;
	s11 =	sadd.s32 $0x18F800, s11;
	s14 =	sadd.s32 s31, s0;
	v0 =	vpop (erf)  }
.LBB2_7:
0x13: {  	_ =	swait.ge [sflag:s20], $0x4000  }
0x14: {  	[sflag:s20] =	ssyncset.done $0x0  }
0x15: {  	[sflag:s20] =	ssyncadd.s32 $0xFFFFC000  }
0x16: {  	[hbm4b:s9+s4] =	stream.linear.scatter [tilespmem:s21], [sflag:$0x3], $0x4000, $0x38;
	[tilespmem:$0x184B0] =	vst v63  }
0x17: {  	_ =	swait.ge [sflag:s20], $0x4000  }
0x18: {  	[sflag:s20] =	ssyncset.done $0x0  }
0x19: {  	[sflag:s20] =	ssyncadd.s32 $0xFFFFC000  }
0x1a: {  	[hbm4b:s10+s4] =	stream.linear.scatter [tilespmem:s22], [sflag:$0x3], $0x4000, $0x38;
	[tilespmem:$0x184B0] =	vst v63  }
0x1b: {  	_ =	swait.ge [sflag:s20], $0x4000  }
0x1c: {  	[sflag:s20] =	ssyncset.done $0x0  }
0x1d: {  	[sflag:s20] =	ssyncadd.s32 $0xFFFFC000  }
0x1e: {  	[hbm4b:s11+s4] =	stream.linear.scatter [tilespmem:s23], [sflag:$0x3], $0x4000, $0x38;
	[tilespmem:$0x184B0] =	vst v63  }
0x1f: {  	_ =	swait.ge [sflag:s24], $0x4000  }
0x20: {  	[sflag:s24] =	ssyncset.done $0x0  }
0x21: {  	[sflag:s24] =	ssyncadd.s32 $0xFFFFC000  }
0x22: {  	_ =	swait.ge [sflag:s24], $0x4000  }
0x23: {  	[sflag:s24] =	ssyncset.done $0x0  }
0x24: {  	[sflag:s24] =	ssyncadd.s32 $0xFFFFC000  }
0x25: {  	_ =	swait.ge [sflag:s24], $0x4000  }
0x26: {  	[sflag:s24] =	ssyncset.done $0x0  }
0x27: {  	[sflag:s24] =	ssyncadd.s32 $0xFFFFC000  }
0x28: {  	_ =	swait.ge [sflag:s24], $0x4000  }
0x29: {  	[sflag:s24] =	ssyncset.done $0x0  }
0x2a: {  	s25 =	sadd.s32 $0x1, s25;
	[sflag:s24] =	ssyncadd.s32 $0xFFFFC000  }
0x2b: {  	p1 =	sne.s32 s25, s12;
	_ =	swait.ge [sflag:s24], $0x4000  }
.Ltmp1:
0x2c: {  	[sflag:s24] =	ssyncset.done $0x0;
	(pc) =	sbr.rel @!p1 .LBB2_8-.Ltmp1, $4  }
0x2d: {  	[sflag:s24] =	ssyncadd.s32 $0xFFFFC000  }
0x2e: {  	_ =	swait.ge [sflag:s24], $0x4000  }
0x2f: {  	[sflag:s24] =	ssyncset.done $0x0  }
0x30: {  	[sflag:s24] =	ssyncadd.s32 $0xFFFFC000  }
.LBB2_1:
0x31: {  	s0 =	simm.s32 @!p0 $0x1C04;
	s2 =	rddreg [dreg:$0x1]  }
0x32: {  	[spmem:s15], [sflag:s0] =	dma.local @!p0 [hbm:s2], $0x160  }
0x33: {  	s0 =	simm.s32 @!p0 $0x4  }
0x34: {  	_ =	swait.ge @!p0 [sflag:s0], $0x160  }
0x35: {  	[sflag:s0] =	ssyncset.done @!p0 $0x0  }
0x36: {  	[sflag:s0] =	ssyncadd.s32 @!p0 $0xFFFFFEA0  }
0x37: {  	[bflag:$0x0] =	sbarrier.arrive $0xFFFF  }
0x38: {  	[tilespmem:s4], [sflag:$0x1] =	stream.linear.gather [hbm4b:s5+s4], $0x80, $0x38;
	[tilespmem:$0x184B0] =	vst v63  }
0x39: {  	_ = 	snop  }
0x3a: {  	[tilespmem:s16], [sflag:$0x1] =	stream.linear.gather [hbm4b:s6+s4], $0x80, $0x38;
	[tilespmem:$0x184B0] =	vst v63  }
.Ltmp2:
0x3b: {  	_ = 	snop;
	(pc) =	sbr.rel .LBB2_2-.Ltmp2, $4  }
0x3c: {  	s26 =	simm.s32 $0x100;
	s28 =	smov.u32 s14;
	s29 =	smov.u32 s13  }
0x3d: {  	[tilespmem:s26], [sflag:$0x1] =	stream.linear.gather [hbm4b:s7+s4], $0x80, $0x38;
	[tilespmem:$0x184B0] =	vst v63  }
0x3e: {  	s30 =	simm.s32 $0x0;
	s31 =	simm.s32 $0x0;
	s26 =	simm.s32 $0x0  }
0x3f: {  	[tilespmem:s18], [sflag:$0x1] =	stream.linear.gather [hbm4b:s8+s4], $0x80, $0x38;
	[tilespmem:$0x184B0] =	vst v63  }
.LBB2_3:
0x40: {  	s0 =	sand.u32 $0x6, s0  }
0x41: {  	s0 =	sadd.s32 s0, s31  }
0x42: {  	s0 =	sshll.u32 s0, $0xE  }
0x43: {  	s0 =	sand.u32 $0x1C000, s0  }
0x44: {  	s0 =	sor.u32 $0x400, s0  }
0x45: {  	[tilespmem:s0], [sflag:$0x2] =	stream.indirect.gather [spmem:s3], $0x80, s2, s16, $0xb8;
	[tilespmem:$0x184B0] =	vst v63  }
.LBB2_5:
0x46: {  	s0 =	sadd.s32 $0xFFFFFFFD, s31  }
0x47: {  	s2 =	sand.u32 $0xFFFF, s0  }
0x48: {  	s2 =	smul.u32 $0xAAAB, s2;
	_ =	sdelay $0x1  }
0x49: {  	s2 =	sshrl.u32 s2, $0x11  }
0x4a: {  	s2 =	sand.u32 $0x6, s2  }
0x4b: {  	s0 =	sadd.s32 s2, s0  }
0x4c: {  	_ =	swait.ge [sflag:s20], $0x4000;
	s0 =	sshll.u32 s0, $0xE  }
0x4d: {  	s17 =	sshrl.u32 s29, $0x3;
	[sflag:s20] =	ssyncset.done $0x0;
	s0 =	sand.u32 $0x1C000, s0  }
0x4e: {  	[sflag:s20] =	ssyncadd.s32 $0xFFFFC000;
	s2 =	sadd.s32 s1, s17;
	s0 =	sor.u32 $0x400, s0  }
0x4f: {  	[hbm4b:s2+s4] =	stream.linear.scatter [tilespmem:s0], [sflag:$0x3], $0x4000, $0x38;
	[tilespmem:$0x184B0] =	vst v63  }
.LBB2_6:
0x50: {  	s31 =	sadd.s32 $0x1, s31  }
0x51: {  	p1 =	sne.s32 s31, $0x320  }
.Ltmp3:
0x52: {  	_ = 	snop;
	(pc) =	sbr.rel @!p1 .LBB2_7-.Ltmp3, $3  }
0x53: {  	_ =	sdelay $0x1  }
0x54: {  	s30 =	sadd.s32 $0x200, s30  }
0x55: {  	s29 =	sadd.s32 $0x4000, s29;
	s28 =	sadd.s32 $0x10, s28;
	s26 =	sadd.s32 $0x80, s26  }
.LBB2_2:
0x56: {  	p1 =	slt.u32 s31, $0x6  }
0x57: {  	s0 =	simm.s32 @!p1 $0x3  }
0x58: {  	_ =	swait.ge @!p1 [sflag:s0], $0x4000  }
0x59: {  	[sflag:s0] =	ssyncset.done @!p1 $0x0  }
0x5a: {  	[sflag:s0] =	ssyncadd.s32 @!p1 $0xFFFFC000  }
0x5b: {  	_ =	swait.ge [sflag:s19], $0x80  }
0x5c: {  	[sflag:s19] =	ssyncset.done $0x0  }
0x5d: {  	s2 =	sand.u32 $0x180, s26;
	[sflag:s19] =	ssyncadd.s32 $0xFFFFFF80  }
0x5e: {  	v1 =	vld [tilespmem:s2+$0x0]  }
0x5f: {  	v2 =	vld [tilespmem:s2+$0x10]  }
0x60: {  	v3 =	vld [tilespmem:s2+$0x20]  }
0x61: {  	v4 =	vld [tilespmem:s2+$0x30]  }
0x62: {  	v5 =	vld [tilespmem:s2+$0x40]  }
0x63: {  	v7 =	vld [tilespmem:s2+$0x60];
	_ =	sdelay $0x2  }
0x64: {  	v1 =	vmax.f32 v1, $0.0e+00;
	v2 =	vmax.f32 v2, $0.0e+00  }
0x65: {  	v3 =	vmax.f32 v3, $0.0e+00;
	v4 =	vmax.f32 v4, $0.0e+00;
	v5 =	vmax.f32 v5, $0.0e+00  }
0x66: {  	v7 =	vmax.f32 v7, $0.0e+00;
	v1 =	vmin.f32 v1, $1.000000000e+02;
	v2 =	vmin.f32 v2, $1.000000000e+02  }
0x67: {  	v6 =	vld [tilespmem:s2+$0x50];
	v3 =	vmin.f32 v3, $1.000000000e+02;
	v4 =	vmin.f32 v4, $1.000000000e+02;
	v1 =	vmul.f32 v1, v0  }
0x68: {  	v5 =	vmin.f32 v5, $1.000000000e+02;
	v2 =	vmul.f32 v2, v0;
	v3 =	vmul.f32 v3, v0  }
0x69: {  	v8 =	vld [tilespmem:s2+$0x70];
	v59 =	vmin.f32 v7, $1.000000000e+02;
	v4 =	vmul.f32 v4, v0;
	v5 =	vmul.f32 v5, v0  }
0x6a: {  	v61 =	vmul.f32 v59, v0;
	v1 =	vtrunc.f32 v1  }
0x6b: {  	v2 =	vtrunc.f32 v2;
	v3 =	vtrunc.f32 v3  }
0x6c: {  	v6 =	vmax.f32 v6, $0.0e+00;
	v4 =	vtrunc.f32 v4;
	v1 =	vcvt.f32.s32 v1  }
0x6d: {  	v6 =	vmin.f32 v6, $1.000000000e+02;
	v5 =	vtrunc.f32 v5;
	v2 =	vcvt.f32.s32 v2  }
0x6e: {  	v60 =	vmax.f32 v8, $0.0e+00;
	v3 =	vcvt.f32.s32 v3;
	[tilespmem:s2+$0x200] =	vst v1;
	v1 =	vmul.f32 v6, v0  }
0x6f: {  	v62 =	vmin.f32 v60, $1.000000000e+02;
	v4 =	vcvt.f32.s32 v4;
	[tilespmem:s2+$0x210] =	vst v2;
	v2 =	vcvt.f32.s32 v5  }
0x70: {  	p1 =	slt.u32 s31, $0x31C;
	[tilespmem:s2+$0x220] =	vst v3;
	v3 =	vmul.f32 v62, v0;
	v1 =	vtrunc.f32 v1  }
.Ltmp4:
0x71: {  	v63 =	vtrunc.f32 v61;
	[tilespmem:s2+$0x230] =	vst v4;
	v1 =	vcvt.f32.s32 v1;
	(pc) =	sbr.rel @!p1 .LBB2_3-.Ltmp4, $4  }
0x72: {  	[tilespmem:s2+$0x240] =	vst v2;
	v2 =	vcvt.f32.s32 v63;
	v3 =	vtrunc.f32 v3  }
0x73: {  	s17 =	smul.u32 $0xAAAB, s31;
	[tilespmem:s2+$0x250] =	vst v1;
	v1 =	vcvt.f32.s32 v3  }
0x74: {  	[tilespmem:s2+$0x260] =	vst v2  }
0x75: {  	s0 =	sshrl.u32 s17, $0x11;
	[tilespmem:s2+$0x270] =	vst v1;
	s2 =	sor.u32 $0x200, s2  }
0x76: {  	s17 =	sand.u32 $0x600, s30  }
0x77: {  	s0 =	sand.u32 $0x6, s0;
	p1 =	slt.u32 s31, $0x3;
	s17 =	sshrl.u32 s17, $0x2  }
0x78: {  	[tilespmem:s17], [sflag:$0x1] =	stream.linear.gather [hbm4b:s28+s4], $0x80, $0x38;
	[tilespmem:$0x184B0] =	vst v63  }
.Ltmp5:
0x79: {  	s0 =	sadd.s32 s0, s31;
	(pc) =	sbr.rel @p1 .LBB2_6-.Ltmp5, $4  }
.Ltmp6:
0x7a: {  	s0 =	sshll.u32 s0, $0xE;
	(pc) =	sbr.rel @!p1 .LBB2_5-.Ltmp6, $4  }
0x7b: {  	s0 =	sand.u32 $0x1C000, s0  }
0x7c: {  	s0 =	sor.u32 $0x400, s0  }
0x7d: {  	[tilespmem:s0], [sflag:$0x2] =	stream.indirect.gather [spmem:s3], $0x80, s2, s16, $0xb8;
	[tilespmem:$0x184B0] =	vst v63  }
0x7e: {  	_ = 	snop  }
.LBB2_8:
0x7f: {  	_ =	sfence.sel $0x180000  }
0x80: {  	[bflag:$0x0] =	sbarrier.arrive $0xFFFF  }
0x81: {  	_ =	strace $0x90000047  }
0x82: {  	[bflag:$0x2] =	sbarrier.arrive $0xFFFF  }
0x83: {  	s0 =	rddreg [dreg:$0x4]  }
0x84: {  	s0 =	sadd.s32 @!p0 $0x100000, s0  }
0x85: {  	[sflag:s0] =	ssyncadd.tile.s32 @!p0 $0x1;
	_ =	shalt  }
.Lfunc_end2:
_tile_overlayer_lowered:
.L_overlay_start_2:
0x86: {  	(tag) =	ssettag $0x2  }
0x87: {  	s0 =	rddreg [dreg:$0x0];
	s2 =	stileid.u32  }
0x88: {  	s1 =	rddreg [dreg:$0x1];
	p0 =	sne.s32 s2, $0x0  }
0x89: {  	s3 =	rddreg [dreg:$0x2];
	[bflag:$0x3] =	sbarrier.arrive $0xFFFF;
	s2 =	simm.s32 @!p0 $0x1C04  }
0x8a: {  	[timem:s3], [sflag:s2] =	dma.local @!p0 [hbm:s0], s1  }
0x8b: {  	s0 =	simm.s32 @!p0 $0x4  }
0x8c: {  	_ =	swait.ge @!p0 [sflag:s0], s1  }
0x8d: {  	s1 =	ssub.s32 @!p0 $0x0, s1;
	[sflag:s0] =	ssyncset.done @!p0 $0x0  }
0x8e: {  	[sflag:s0] =	ssyncadd.s32 @!p0 s1  }
0x8f: {  	[bflag:$0x3] =	sbarrier.arrive $0xFFFF  }
0x90: {  	_ =	shalt  }

</sc_bundles>
